<compile_context>
chip_gen: v7x
topology: tpu7x:2x2x1
jax: 0.10.2.dev20260603
libtpu: 0.0.44.dev20260713+nightly
codegen_flags: <defaults>
</compile_context>

<pallas_src>
import functools

import jax
import jax.numpy as jnp
from jax import lax
from jax.experimental import pallas as pl
from jax.experimental.pallas import tpu as pltpu
from jax.experimental.pallas import tpu_sc as plsc

D = 128
NC = 2
NS = 16
NW = NC * NS
CHUNK = 64
NBUF = 4
KBLK = 16
DBUF = 3


def _pad_sizes(n_nodes, n_edges):
    quantum = NW * CHUNK * KBLK
    epad = ((n_edges + quantum - 1) // quantum) * quantum
    stripe = ((n_nodes + 1 + NS - 1) // NS + 7) // 8 * 8
    nacc = stripe * NS
    return epad, nacc, stripe


@functools.lru_cache(maxsize=None)
def _make_sc_seg_sum(n_nodes, epad, nacc):
    ch = epad // (NW * CHUNK)
    ep = ch * CHUNK
    stripe = nacc // NS
    mesh = plsc.VectorSubcoreMesh(core_axis_name="c", subcore_axis_name="s")

    def body(sup, srcp, dstp, zeros, out, src_v, dst_v, rows_v,
             acc, sems, sem_d):
        c = lax.axis_index("c")
        s = lax.axis_index("s")
        wid = s * NC + c
        cbase = wid * ch
        pltpu.sync_copy(srcp.at[pl.ds(wid * ep, ep)], src_v)
        pltpu.sync_copy(dstp.at[pl.ds(cbase, KBLK)], dst_v.at[0])
        pltpu.async_copy(dstp.at[pl.ds(cbase + KBLK, KBLK)], dst_v.at[1],
                         sem_d)
        pltpu.sync_copy(zeros.at[pl.ds(s * stripe, stripe)],
                        acc.at[pl.ds(s * stripe, stripe)])
        plsc.subcore_barrier()

        pltpu.async_copy(sup.at[src_v.at[pl.ds(0, CHUNK)]], rows_v.at[0],
                         sems.at[0])
        pltpu.async_copy(sup.at[src_v.at[pl.ds(CHUNK, CHUNK)]], rows_v.at[1],
                         sems.at[1])

        def group(q, carry):
            c0 = q * NBUF

            @pl.when((lax.rem(q, KBLK // NBUF) == 0) & (q > 0))
            def _():
                pltpu.make_async_copy(dstp.at[pl.ds(0, KBLK)], dst_v.at[0],
                                      sem_d).wait()

            @pl.when((lax.rem(q, KBLK // NBUF) == 0) & (q > 0)
                     & (c0 + KBLK < ch))
            def _():
                blk = lax.div(c0, KBLK)
                pltpu.async_copy(
                    dstp.at[pl.ds(pl.multiple_of(cbase + c0 + KBLK, KBLK),
                                  KBLK)],
                    dst_v.at[lax.rem(blk + 1, DBUF)], sem_d)

            for i in range(NBUF):
                cc = c0 + i
                x = i
                y = (i + 2) % NBUF
                bp = lax.rem(lax.div(cc, KBLK), DBUF)
                jl = lax.rem(cc, KBLK)
                pltpu.make_async_copy(sup.at[src_v.at[pl.ds(0, CHUNK)]],
                                      rows_v.at[x], sems.at[x]).wait()
                pltpu.async_copy(rows_v.at[x], acc.at[dst_v.at[bp, jl]],
                                 sems.at[x], add=True)

                @pl.when(cc >= 2)
                def _():
                    pltpu.make_async_copy(
                        rows_v.at[y], acc.at[dst_v.at[bp, jl]],
                        sems.at[y]).wait()

                @pl.when(cc + 2 < ch)
                def _():
                    pltpu.async_copy(
                        sup.at[src_v.at[pl.ds((cc + 2) * CHUNK, CHUNK)]],
                        rows_v.at[y], sems.at[y])

            return carry

        lax.fori_loop(0, ch // NBUF, group, 0)
        pltpu.make_async_copy(sup.at[src_v.at[pl.ds(0, CHUNK)]],
                              rows_v.at[(ch - 2) % NBUF],
                              sems.at[(ch - 2) % NBUF]).wait()
        pltpu.make_async_copy(sup.at[src_v.at[pl.ds(0, CHUNK)]],
                              rows_v.at[(ch - 1) % NBUF],
                              sems.at[(ch - 1) % NBUF]).wait()
        plsc.subcore_barrier()
        pltpu.sync_copy(acc.at[pl.ds(s * stripe, stripe)],
                        out.at[c, pl.ds(s * stripe, stripe)])

    return pl.kernel(
        body,
        out_type=jax.ShapeDtypeStruct((NC, nacc, D), jnp.float32),
        mesh=mesh,
        scratch_types=[
            pltpu.VMEM((ep,), jnp.int32),
            pltpu.VMEM((DBUF, KBLK, CHUNK), jnp.int32),
            pltpu.VMEM((NBUF, CHUNK, D), jnp.float32),
            pltpu.VMEM_SHARED((nacc, D), jnp.float32),
            pltpu.SemaphoreType.DMA((NBUF,)),
            pltpu.SemaphoreType.DMA,
        ],
    )


def _tc_first(x, w, sw):
    n = x.shape[0]

    def body(x_ref, w_ref, sw_ref, sup_ref, self_ref):
        xv = x_ref[...]
        sup_ref[...] = jnp.dot(xv, w_ref[...],
                               preferred_element_type=jnp.float32)
        self_ref[...] = jnp.dot(xv, sw_ref[...],
                                preferred_element_type=jnp.float32)

    return pl.pallas_call(
        body,
        out_shape=(jax.ShapeDtypeStruct((n, D), jnp.float32),
                   jax.ShapeDtypeStruct((n, D), jnp.float32)),
    )(x, w, sw)


def _bn_relu(pre, g, b):
    m = jnp.mean(pre, axis=0, keepdims=True)
    v = jnp.mean((pre - m) ** 2, axis=0, keepdims=True)
    return jnp.maximum((pre - m) * jax.lax.rsqrt(v + 1e-5) * g + b, 0.0)


def _tc_mid(parts, selfp, g, b, w_next, sw_next):
    n = selfp.shape[0]

    def body(parts_ref, self_ref, g_ref, b_ref, w_ref, sw_ref,
             sup_ref, selfo_ref):
        pre = (parts_ref[0, :n, :] + parts_ref[1, :n, :] + self_ref[...])
        h = _bn_relu(pre, g_ref[...], b_ref[...])
        sup_ref[...] = jnp.dot(h, w_ref[...],
                               preferred_element_type=jnp.float32)
        selfo_ref[...] = jnp.dot(h, sw_ref[...],
                                 preferred_element_type=jnp.float32)

    return pl.pallas_call(
        body,
        out_shape=(jax.ShapeDtypeStruct((n, D), jnp.float32),
                   jax.ShapeDtypeStruct((n, D), jnp.float32)),
    )(parts, selfp, g.reshape(1, D), b.reshape(1, D), w_next, sw_next)


def _tc_last(parts, selfp, g, b, x):
    n = x.shape[0]

    def body(parts_ref, self_ref, g_ref, b_ref, x_ref, out_ref):
        pre = (parts_ref[0, :n, :] + parts_ref[1, :n, :] + self_ref[...])
        h = _bn_relu(pre, g_ref[...], b_ref[...])
        out_ref[...] = jnp.concatenate([h, x_ref[...]], axis=1)

    return pl.pallas_call(
        body,
        out_shape=jax.ShapeDtypeStruct((n, 2 * D), jnp.float32),
    )(parts, selfp, g.reshape(1, D), b.reshape(1, D), x)


def kernel(x, edge_index, W0, SW0, g0, b0, W1, SW1, g1, b1):
    n_nodes, _ = x.shape
    n_edges = edge_index.shape[1]
    epad, nacc, _ = _pad_sizes(n_nodes, n_edges)

    src = edge_index[0].astype(jnp.int32)
    dst = edge_index[1].astype(jnp.int32)
    pad = epad - n_edges
    pad_i = jnp.arange(pad, dtype=jnp.int32)
    srcp = jnp.concatenate([src, pad_i % n_nodes])
    dstp = jnp.concatenate([dst, n_nodes + pad_i % (nacc - n_nodes)])
    dstp = dstp.reshape(epad // CHUNK, CHUNK)
    zeros = jnp.zeros((nacc, D), jnp.float32)

    seg_sum = _make_sc_seg_sum(n_nodes, epad, nacc)

    sup0, self0 = _tc_first(x, W0, SW0)
    parts0 = seg_sum(sup0, srcp, dstp, zeros)
    sup1, self1 = _tc_mid(parts0, self0, g0, b0, W1, SW1)
    parts1 = seg_sum(sup1, srcp, dstp, zeros)
    return _tc_last(parts1, self1, g1, b1, x)

# --- scband reference (transcript-rebuilt; emitter-appended) ---
"""Pipeline reference for scband-graph-base-block-68247030334290 (READ-ONLY COPY).

The authoritative reference and input builder live on the scoring server;
editing this copy changes nothing except your own understanding.
"""

import jax, jax.numpy as jnp
import numpy as np
import math

N = 10000
E = 320000
D = 128

def setup_inputs(seed: int = 0) -> dict:
    key = jax.random.key(seed)
    ks = jax.random.split(key, 8)
    x = jax.random.normal(ks[0], (N, D), dtype=jnp.float32)
    edge_index = jax.random.randint(ks[1], (2, E), 0, N, dtype=jnp.int64)
    stdv = 1.0 / math.sqrt(D)
    W0 = jax.random.uniform(ks[2], (D, D), minval=-stdv, maxval=stdv, dtype=jnp.float32)
    SW0 = jax.random.uniform(ks[3], (D, D), minval=-stdv, maxval=stdv, dtype=jnp.float32)
    W1 = jax.random.uniform(ks[4], (D, D), minval=-stdv, maxval=stdv, dtype=jnp.float32)
    SW1 = jax.random.uniform(ks[5], (D, D), minval=-stdv, maxval=stdv, dtype=jnp.float32)
    g0 = jnp.ones((D,), dtype=jnp.float32); b0 = jnp.zeros((D,), dtype=jnp.float32)
    g1 = jnp.ones((D,), dtype=jnp.float32); b1 = jnp.zeros((D,), dtype=jnp.float32)
    return {"x": x, "edge_index": edge_index, "W0": W0, "SW0": SW0, "g0": g0, "b0": b0, "W1": W1, "SW1": SW1, "g1": g1, "b1": b1}

def _bn(o, g, b):
    # BatchNorm1d training-mode math: biased batch statistics over the node dim
    m = o.mean(axis=0)
    v = o.var(axis=0)
    return (o - m) / jnp.sqrt(v + 1e-5) * g + b

def _gcn_layer(x, W, SW, g, b, src, dst):
    support = x @ W                                  # dense matmul
    gathered = jnp.take(support, src, axis=0)         # gather (SparseCore)
    out = jax.ops.segment_sum(gathered, dst, num_segments=N)  # scatter-add (spmm)
    out = out + x @ SW                                # self-loop weight
    out = _bn(out, g, b)
    return jax.nn.relu(out)

def reference(x, edge_index, W0, SW0, g0, b0, W1, SW1, g1, b1):
    src = edge_index[0]
    dst = edge_index[1]
    h = _gcn_layer(x, W0, SW0, g0, b0, src, dst)
    h = _gcn_layer(h, W1, SW1, g1, b1, src, dst)
    # aggrmethod='concat', dense=False -> concat(final_hidden, input)
    return jnp.concatenate([h, x], axis=1)

if __name__ == "__main__":
    import jax
    _d = setup_inputs()
    print(jax.jit(kernel)(*tuple(_d.values())))

</pallas_src>

<mosaic_0001>
#map = affine_map<(d0, d1) -> (0, 0)>
#map1 = affine_map<(d0, d1) -> (0)>
#map2 = affine_map<(d0, d1) -> (0, 0, 0)>
module attributes {stable_mosaic.version = 14 : i64} {
  func.func @body(%arg0: i32, %arg1: i32, %arg2: memref<10000x128xf32, #tpu.memory_space<hbm>>, %arg3: memref<327680xi32, #tpu.memory_space<hbm>>, %arg4: memref<5120x64xi32, #tpu.memory_space<hbm>>, %arg5: memref<10112x128xf32, #tpu.memory_space<hbm>>, %arg6: memref<2x10112x128xf32, #tpu.memory_space<hbm>>, %arg7: memref<10240xi32, #tpu.memory_space<vmem>>, %arg8: memref<3x16x64xi32, #tpu.memory_space<vmem>>, %arg9: memref<4x64x128xf32, #tpu.memory_space<vmem>>, %arg10: memref<10112x128xf32, #tpu.memory_space<vmem_shared>>, %arg11: memref<4x!tpu.dma_semaphore, #tpu.memory_space<semaphore_mem>>, %arg12: memref<!tpu.dma_semaphore, #tpu.memory_space<semaphore_mem>>) attributes {dimension_semantics = [#tpu.dimension_semantics<core_parallel>, #tpu.dimension_semantics<subcore_parallel>], iteration_bounds = array<i64: 2, 16>, scalar_prefetch = 0 : i64, scratch_operands = 6 : i64, tpu.core_type = #tpu.core_type<sc_vector_subcore>, window_params = [{transform_indices = #map}, {transform_indices = #map1}, {transform_indices = #map}, {transform_indices = #map}, {transform_indices = #map2}]} {
    %mul3A = arith.constant 2 : i32
    %mul3A_0 = arith.muli %arg1, %mul3A : i32
    %add3A = arith.addi %mul3A_0, %arg0 : i32
    %mul3A_1 = arith.constant 160 : i32
    %mul3A_2 = arith.muli %add3A, %mul3A_1 : i32
    %mul3A_3 = arith.constant 10240 : i32
    %mul3A_4 = arith.muli %add3A, %mul3A_3 : i32
    "tpu.region"() ({
      %run_scoped3A_84 = tpu.sem_alloc : memref<!tpu.dma_semaphore, #tpu.memory_space<semaphore_mem>>
      %dma_start3A_85 = tpu.memref_slice %arg3[%mul3A_4] : memref<327680xi32, #tpu.memory_space<hbm>> -> memref<10240xi32, #tpu.memory_space<hbm>>
      %dma_start3A_86 = tpu.memref_slice %arg3[%mul3A_4] : memref<327680xi32, #tpu.memory_space<hbm>> -> memref<10240xi32, #tpu.memory_space<hbm>>
      tpu.enqueue_dma source(%dma_start3A_86 : memref<10240xi32, #tpu.memory_space<hbm>>) target(%arg7 : memref<10240xi32, #tpu.memory_space<vmem>>) target_semaphore(%run_scoped3A_84 : memref<!tpu.dma_semaphore, #tpu.memory_space<semaphore_mem>>)
      %dma_wait3A_87 = tpu.memref_slice %arg3[%mul3A_4] : memref<327680xi32, #tpu.memory_space<hbm>> -> memref<10240xi32, #tpu.memory_space<hbm>>
      %dma_wait3A_88 = tpu.memref_slice %arg3[%mul3A_4] : memref<327680xi32, #tpu.memory_space<hbm>> -> memref<10240xi32, #tpu.memory_space<hbm>>
      tpu.wait_dma2 semaphore(%run_scoped3A_84 : memref<!tpu.dma_semaphore, #tpu.memory_space<semaphore_mem>>) src(%dma_wait3A_88 : memref<10240xi32, #tpu.memory_space<hbm>>) dst(%arg7 : memref<10240xi32, #tpu.memory_space<vmem>>)
      tpu.yield
    }) : () -> ()
    %run_scoped3A = arith.constant 0 : i32
    "tpu.region"() ({
      %run_scoped3A_84 = tpu.sem_alloc : memref<!tpu.dma_semaphore, #tpu.memory_space<semaphore_mem>>
      %dma_start3A_85 = arith.constant 0 : i32
      %dma_start3A_86 = arith.constant 0 : i32
      %dma_start3A_87 = tpu.memref_slice %arg8[%run_scoped3A, %dma_start3A_85, %dma_start3A_86] : memref<3x16x64xi32, #tpu.memory_space<vmem>> -> memref<1x16x64xi32, #tpu.memory_space<vmem>>
      %dma_start3A_88 = tpu.memref_squeeze %dma_start3A_87 : memref<1x16x64xi32, #tpu.memory_space<vmem>> -> memref<16x64xi32, #tpu.memory_space<vmem>>
      %dma_start3A_89 = arith.constant 0 : i32
      %dma_start3A_90 = tpu.memref_slice %arg4[%mul3A_2, %dma_start3A_89] : memref<5120x64xi32, #tpu.memory_space<hbm>> -> memref<16x64xi32, #tpu.memory_space<hbm>>
      %dma_start3A_91 = arith.constant 0 : i32
      %dma_start3A_92 = arith.constant 0 : i32
      %dma_start3A_93 = tpu.memref_slice %arg8[%run_scoped3A, %dma_start3A_91, %dma_start3A_92] : memref<3x16x64xi32, #tpu.memory_space<vmem>> -> memref<1x16x64xi32, #tpu.memory_space<vmem>>
      %dma_start3A_94 = tpu.memref_squeeze %dma_start3A_93 : memref<1x16x64xi32, #tpu.memory_space<vmem>> -> memref<16x64xi32, #tpu.memory_space<vmem>>
      %dma_start3A_95 = arith.constant 0 : i32
      %dma_start3A_96 = tpu.memref_slice %arg4[%mul3A_2, %dma_start3A_95] : memref<5120x64xi32, #tpu.memory_space<hbm>> -> memref<16x64xi32, #tpu.memory_space<hbm>>
      tpu.enqueue_dma source(%dma_start3A_96 : memref<16x64xi32, #tpu.memory_space<hbm>>) target(%dma_start3A_94 : memref<16x64xi32, #tpu.memory_space<vmem>>) target_semaphore(%run_scoped3A_84 : memref<!tpu.dma_semaphore, #tpu.memory_space<semaphore_mem>>)
      %dma_wait3A_97 = arith.constant 0 : i32
      %dma_wait3A_98 = arith.constant 0 : i32
      %dma_wait3A_99 = tpu.memref_slice %arg8[%run_scoped3A, %dma_wait3A_97, %dma_wait3A_98] : memref<3x16x64xi32, #tpu.memory_space<vmem>> -> memref<1x16x64xi32, #tpu.memory_space<vmem>>
      %dma_wait3A_100 = tpu.memref_squeeze %dma_wait3A_99 : memref<1x16x64xi32, #tpu.memory_space<vmem>> -> memref<16x64xi32, #tpu.memory_space<vmem>>
      %dma_wait3A_101 = arith.constant 0 : i32
      %dma_wait3A_102 = tpu.memref_slice %arg4[%mul3A_2, %dma_wait3A_101] : memref<5120x64xi32, #tpu.memory_space<hbm>> -> memref<16x64xi32, #tpu.memory_space<hbm>>
      %dma_wait3A_103 = arith.constant 0 : i32
      %dma_wait3A_104 = arith.constant 0 : i32
      %dma_wait3A_105 = tpu.memref_slice %arg8[%run_scoped3A, %dma_wait3A_103, %dma_wait3A_104] : memref<3x16x64xi32, #tpu.memory_space<vmem>> -> memref<1x16x64xi32, #tpu.memory_space<vmem>>
      %dma_wait3A_106 = tpu.memref_squeeze %dma_wait3A_105 : memref<1x16x64xi32, #tpu.memory_space<vmem>> -> memref<16x64xi32, #tpu.memory_space<vmem>>
      %dma_wait3A_107 = arith.constant 0 : i32
      %dma_wait3A_108 = tpu.memref_slice %arg4[%mul3A_2, %dma_wait3A_107] : memref<5120x64xi32, #tpu.memory_space<hbm>> -> memref<16x64xi32, #tpu.memory_space<hbm>>
      tpu.wait_dma2 semaphore(%run_scoped3A_84 : memref<!tpu.dma_semaphore, #tpu.memory_space<semaphore_mem>>) src(%dma_wait3A_108 : memref<16x64xi32, #tpu.memory_space<hbm>>) dst(%dma_wait3A_106 : memref<16x64xi32, #tpu.memory_space<vmem>>)
      tpu.yield
    }) : () -> ()
    %add3A_5 = arith.constant 16 : i32
    %add3A_6 = arith.addi %mul3A_2, %add3A_5 : i32
    %dma_start3A = arith.constant 1 : i32
    %dma_start3A_7 = arith.constant 0 : i32
    %dma_start3A_8 = arith.constant 0 : i32
    %dma_start3A_9 = tpu.memref_slice %arg8[%dma_start3A, %dma_start3A_7, %dma_start3A_8] : memref<3x16x64xi32, #tpu.memory_space<vmem>> -> memref<1x16x64xi32, #tpu.memory_space<vmem>>
    %dma_start3A_10 = tpu.memref_squeeze %dma_start3A_9 : memref<1x16x64xi32, #tpu.memory_space<vmem>> -> memref<16x64xi32, #tpu.memory_space<vmem>>
    %dma_start3A_11 = arith.constant 0 : i32
    %dma_start3A_12 = tpu.memref_slice %arg4[%add3A_6, %dma_start3A_11] : memref<5120x64xi32, #tpu.memory_space<hbm>> -> memref<16x64xi32, #tpu.memory_space<hbm>>
    %dma_start3A_13 = arith.constant 0 : i32
    %dma_start3A_14 = arith.constant 0 : i32
    %dma_start3A_15 = tpu.memref_slice %arg8[%dma_start3A, %dma_start3A_13, %dma_start3A_14] : memref<3x16x64xi32, #tpu.memory_space<vmem>> -> memref<1x16x64xi32, #tpu.memory_space<vmem>>
    %dma_start3A_16 = tpu.memref_squeeze %dma_start3A_15 : memref<1x16x64xi32, #tpu.memory_space<vmem>> -> memref<16x64xi32, #tpu.memory_space<vmem>>
    %dma_start3A_17 = arith.constant 0 : i32
    %dma_start3A_18 = tpu.memref_slice %arg4[%add3A_6, %dma_start3A_17] : memref<5120x64xi32, #tpu.memory_space<hbm>> -> memref<16x64xi32, #tpu.memory_space<hbm>>
    tpu.enqueue_dma source(%dma_start3A_18 : memref<16x64xi32, #tpu.memory_space<hbm>>) target(%dma_start3A_16 : memref<16x64xi32, #tpu.memory_space<vmem>>) target_semaphore(%arg12 : memref<!tpu.dma_semaphore, #tpu.memory_space<semaphore_mem>>)
    %mul3A_19 = arith.constant 632 : i32
    %mul3A_20 = arith.muli %arg1, %mul3A_19 : i32
    %mul3A_21 = arith.constant 632 : i32
    %mul3A_22 = arith.muli %arg1, %mul3A_21 : i32
    "tpu.region"() ({
      %run_scoped3A_84 = tpu.sem_alloc : memref<!tpu.dma_semaphore, #tpu.memory_space<semaphore_mem>>
      %dma_start3A_85 = arith.constant 0 : i32
      %dma_start3A_86 = tpu.memref_slice %arg10[%mul3A_22, %dma_start3A_85] : memref<10112x128xf32, #tpu.memory_space<vmem_shared>> -> memref<632x128xf32, #tpu.memory_space<vmem_shared>>
      %dma_start3A_87 = arith.constant 0 : i32
      %dma_start3A_88 = tpu.memref_slice %arg5[%mul3A_20, %dma_start3A_87] : memref<10112x128xf32, #tpu.memory_space<hbm>> -> memref<632x128xf32, #tpu.memory_space<hbm>>
      tpu.enqueue_dma source(%dma_start3A_88 : memref<632x128xf32, #tpu.memory_space<hbm>>) target(%dma_start3A_86 : memref<632x128xf32, #tpu.memory_space<vmem_shared>>) target_semaphore(%run_scoped3A_84 : memref<!tpu.dma_semaphore, #tpu.memory_space<semaphore_mem>>)
      %dma_wait3A_89 = arith.constant 0 : i32
      %dma_wait3A_90 = tpu.memref_slice %arg10[%mul3A_22, %dma_wait3A_89] : memref<10112x128xf32, #tpu.memory_space<vmem_shared>> -> memref<632x128xf32, #tpu.memory_space<vmem_shared>>
      %dma_wait3A_91 = arith.constant 0 : i32
      %dma_wait3A_92 = tpu.memref_slice %arg5[%mul3A_20, %dma_wait3A_91] : memref<10112x128xf32, #tpu.memory_space<hbm>> -> memref<632x128xf32, #tpu.memory_space<hbm>>
      tpu.wait_dma2 semaphore(%run_scoped3A_84 : memref<!tpu.dma_semaphore, #tpu.memory_space<semaphore_mem>>) src(%dma_wait3A_92 : memref<632x128xf32, #tpu.memory_space<hbm>>) dst(%dma_wait3A_90 : memref<632x128xf32, #tpu.memory_space<vmem_shared>>)
      tpu.yield
    }) : () -> ()
    %barrier3A = arith.constant 0 : index
    tpu.barrier barrier_id(%barrier3A)
    %dma_start3A_23 = arith.constant 0 : i32
    %dma_start3A_24 = arith.constant 0 : i32
    %dma_start3A_25 = arith.constant 0 : i32
    %dma_start3A_26 = arith.constant 0 : i32
    %dma_start3A_27 = tpu.memref_slice %arg9[%dma_start3A_23, %dma_start3A_25, %dma_start3A_26] : memref<4x64x128xf32, #tpu.memory_space<vmem>> -> memref<1x64x128xf32, #tpu.memory_space<vmem>>
    %dma_start3A_28 = tpu.memref_squeeze %dma_start3A_27 : memref<1x64x128xf32, #tpu.memory_space<vmem>> -> memref<64x128xf32, #tpu.memory_space<vmem>>
    %dma_start3A_29 = arith.constant 0 : i32
    %dma_start3A_30 = tpu.memref_slice %arg7[%dma_start3A_29] : memref<10240xi32, #tpu.memory_space<vmem>> -> memref<64xi32, #tpu.memory_space<vmem>>
    %dma_start3A_31 = arith.constant 0 : i32
    %dma_start3A_32 = arith.constant 0 : i32
    %dma_start3A_33 = tpu.memref_slice %arg2[%dma_start3A_31, %dma_start3A_32] : memref<10000x128xf32, #tpu.memory_space<hbm>> -> memref<10000x128xf32, #tpu.memory_space<hbm>>
    %dma_start3A_34 = tpu.memref_slice %arg11[%dma_start3A_24] : memref<4x!tpu.dma_semaphore, #tpu.memory_space<semaphore_mem>> -> memref<1x!tpu.dma_semaphore, #tpu.memory_space<semaphore_mem>>
    %dma_start3A_35 = tpu.memref_squeeze %dma_start3A_34 : memref<1x!tpu.dma_semaphore, #tpu.memory_space<semaphore_mem>> -> memref<!tpu.dma_semaphore, #tpu.memory_space<semaphore_mem>>
    tpu.enqueue_indirect_dma source(%dma_start3A_33 : memref<10000x128xf32, #tpu.memory_space<hbm>>) target(%dma_start3A_28 : memref<64x128xf32, #tpu.memory_space<vmem>>) offsets(%dma_start3A_30 : memref<64xi32, #tpu.memory_space<vmem>>) semaphore(%dma_start3A_35 : memref<!tpu.dma_semaphore, #tpu.memory_space<semaphore_mem>>)
    %dma_start3A_36 = arith.constant 1 : i32
    %dma_start3A_37 = arith.constant 1 : i32
    %dma_start3A_38 = arith.constant 0 : i32
    %dma_start3A_39 = arith.constant 0 : i32
    %dma_start3A_40 = tpu.memref_slice %arg9[%dma_start3A_36, %dma_start3A_38, %dma_start3A_39] : memref<4x64x128xf32, #tpu.memory_space<vmem>> -> memref<1x64x128xf32, #tpu.memory_space<vmem>>
    %dma_start3A_41 = tpu.memref_squeeze %dma_start3A_40 : memref<1x64x128xf32, #tpu.memory_space<vmem>> -> memref<64x128xf32, #tpu.memory_space<vmem>>
    %dma_start3A_42 = arith.constant 64 : i32
    %dma_start3A_43 = tpu.memref_slice %arg7[%dma_start3A_42] : memref<10240xi32, #tpu.memory_space<vmem>> -> memref<64xi32, #tpu.memory_space<vmem>>
    %dma_start3A_44 = arith.constant 0 : i32
    %dma_start3A_45 = arith.constant 0 : i32
    %dma_start3A_46 = tpu.memref_slice %arg2[%dma_start3A_44, %dma_start3A_45] : memref<10000x128xf32, #tpu.memory_space<hbm>> -> memref<10000x128xf32, #tpu.memory_space<hbm>>
    %dma_start3A_47 = tpu.memref_slice %arg11[%dma_start3A_37] : memref<4x!tpu.dma_semaphore, #tpu.memory_space<semaphore_mem>> -> memref<1x!tpu.dma_semaphore, #tpu.memory_space<semaphore_mem>>
    %dma_start3A_48 = tpu.memref_squeeze %dma_start3A_47 : memref<1x!tpu.dma_semaphore, #tpu.memory_space<semaphore_mem>> -> memref<!tpu.dma_semaphore, #tpu.memory_space<semaphore_mem>>
    tpu.enqueue_indirect_dma source(%dma_start3A_46 : memref<10000x128xf32, #tpu.memory_space<hbm>>) target(%dma_start3A_41 : memref<64x128xf32, #tpu.memory_space<vmem>>) offsets(%dma_start3A_43 : memref<64xi32, #tpu.memory_space<vmem>>) semaphore(%dma_start3A_48 : memref<!tpu.dma_semaphore, #tpu.memory_space<semaphore_mem>>)
    %scan3A = arith.constant 0 : i32
    %scan3A_49 = arith.constant 0 : i32
    %scan3A_50 = arith.constant 40 : i32
    %scan3A_51 = arith.addi %scan3A_49, %scan3A_50 : i32
    %scan3A_52 = arith.constant 1 : i32
    scf.for %scan3A_84 = %scan3A_49 to %scan3A_51 step %scan3A_52  : i32 {
      %mul3A_85 = arith.constant 4 : i32
      %mul3A_86 = arith.muli %scan3A_84, %mul3A_85 : i32
      %rem3A = arith.constant 4 : i32
      %rem3A_87 = arith.remsi %scan3A_84, %rem3A : i32
      %eq3A = arith.constant 0 : i32
      %eq3A_88 = arith.cmpi eq, %rem3A_87, %eq3A : i32
      %gt3A = arith.constant 0 : i32
      %gt3A_89 = arith.cmpi sgt, %scan3A_84, %gt3A : i32
      %and3A = arith.andi %eq3A_88, %gt3A_89 : i1
      %convert_element_type3A = arith.extui %and3A : i1 to i32
      %cond3A = arith.constant 0 : i32
      %cond3A_90 = arith.cmpi ne, %convert_element_type3A, %cond3A : i32
      scf.if %cond3A_90 {
        %dma_wait3A_291 = arith.constant 0 : i32
        %dma_wait3A_292 = arith.constant 0 : i32
        %dma_wait3A_293 = arith.constant 0 : i32
        %dma_wait3A_294 = tpu.memref_slice %arg8[%dma_wait3A_291, %dma_wait3A_292, %dma_wait3A_293] : memref<3x16x64xi32, #tpu.memory_space<vmem>> -> memref<1x16x64xi32, #tpu.memory_space<vmem>>
        %dma_wait3A_295 = tpu.memref_squeeze %dma_wait3A_294 : memref<1x16x64xi32, #tpu.memory_space<vmem>> -> memref<16x64xi32, #tpu.memory_space<vmem>>
        %dma_wait3A_296 = arith.constant 0 : i32
        %dma_wait3A_297 = arith.constant 0 : i32
        %dma_wait3A_298 = tpu.memref_slice %arg4[%dma_wait3A_296, %dma_wait3A_297] : memref<5120x64xi32, #tpu.memory_space<hbm>> -> memref<16x64xi32, #tpu.memory_space<hbm>>
        %dma_wait3A_299 = arith.constant 0 : i32
        %dma_wait3A_300 = arith.constant 0 : i32
        %dma_wait3A_301 = tpu.memref_slice %arg8[%dma_wait3A_291, %dma_wait3A_299, %dma_wait3A_300] : memref<3x16x64xi32, #tpu.memory_space<vmem>> -> memref<1x16x64xi32, #tpu.memory_space<vmem>>
        %dma_wait3A_302 = tpu.memref_squeeze %dma_wait3A_301 : memref<1x16x64xi32, #tpu.memory_space<vmem>> -> memref<16x64xi32, #tpu.memory_space<vmem>>
        %dma_wait3A_303 = arith.constant 0 : i32
        %dma_wait3A_304 = arith.constant 0 : i32
        %dma_wait3A_305 = tpu.memref_slice %arg4[%dma_wait3A_303, %dma_wait3A_304] : memref<5120x64xi32, #tpu.memory_space<hbm>> -> memref<16x64xi32, #tpu.memory_space<hbm>>
        tpu.wait_dma2 semaphore(%arg12 : memref<!tpu.dma_semaphore, #tpu.memory_space<semaphore_mem>>) src(%dma_wait3A_305 : memref<16x64xi32, #tpu.memory_space<hbm>>) dst(%dma_wait3A_302 : memref<16x64xi32, #tpu.memory_space<vmem>>)
      } else {
      }
      %rem3A_91 = arith.constant 4 : i32
      %rem3A_92 = arith.remsi %scan3A_84, %rem3A_91 : i32
      %eq3A_93 = arith.constant 0 : i32
      %eq3A_94 = arith.cmpi eq, %rem3A_92, %eq3A_93 : i32
      %gt3A_95 = arith.constant 0 : i32
      %gt3A_96 = arith.cmpi sgt, %scan3A_84, %gt3A_95 : i32
      %and3A_97 = arith.andi %eq3A_94, %gt3A_96 : i1
      %add3A_98 = arith.constant 16 : i32
      %add3A_99 = arith.addi %mul3A_86, %add3A_98 : i32
      %lt3A = arith.constant 160 : i32
      %lt3A_100 = arith.cmpi slt, %add3A_99, %lt3A : i32
      %and3A_101 = arith.andi %and3A_97, %lt3A_100 : i1
      %convert_element_type3A_102 = arith.extui %and3A_101 : i1 to i32
      %cond3A_103 = arith.constant 0 : i32
      %cond3A_104 = arith.cmpi ne, %convert_element_type3A_102, %cond3A_103 : i32
      scf.if %cond3A_104 {
        %div3A_291 = arith.constant 16 : i32
        %div3A_292 = arith.divsi %mul3A_86, %div3A_291 : i32
        %add3A_293 = arith.addi %mul3A_2, %mul3A_86 : i32
        %add3A_294 = arith.constant 16 : i32
        %add3A_295 = arith.addi %add3A_293, %add3A_294 : i32
        %multiple_of3A = tpu.assume_multiple %add3A_295, 16 : i32
        %add3A_296 = arith.constant 1 : i32
        %add3A_297 = arith.addi %div3A_292, %add3A_296 : i32
        %rem3A_298 = arith.constant 3 : i32
        %rem3A_299 = arith.remsi %add3A_297, %rem3A_298 : i32
        %dma_start3A_300 = arith.constant 0 : i32
        %dma_start3A_301 = arith.constant 0 : i32
        %dma_start3A_302 = tpu.memref_slice %arg8[%rem3A_299, %dma_start3A_300, %dma_start3A_301] : memref<3x16x64xi32, #tpu.memory_space<vmem>> -> memref<1x16x64xi32, #tpu.memory_space<vmem>>
        %dma_start3A_303 = tpu.memref_squeeze %dma_start3A_302 : memref<1x16x64xi32, #tpu.memory_space<vmem>> -> memref<16x64xi32, #tpu.memory_space<vmem>>
        %dma_start3A_304 = arith.constant 0 : i32
        %dma_start3A_305 = tpu.memref_slice %arg4[%multiple_of3A, %dma_start3A_304] : memref<5120x64xi32, #tpu.memory_space<hbm>> -> memref<16x64xi32, #tpu.memory_space<hbm>>
        %dma_start3A_306 = arith.constant 0 : i32
        %dma_start3A_307 = arith.constant 0 : i32
        %dma_start3A_308 = tpu.memref_slice %arg8[%rem3A_299, %dma_start3A_306, %dma_start3A_307] : memref<3x16x64xi32, #tpu.memory_space<vmem>> -> memref<1x16x64xi32, #tpu.memory_space<vmem>>
        %dma_start3A_309 = tpu.memref_squeeze %dma_start3A_308 : memref<1x16x64xi32, #tpu.memory_space<vmem>> -> memref<16x64xi32, #tpu.memory_space<vmem>>
        %dma_start3A_310 = arith.constant 0 : i32
        %dma_start3A_311 = tpu.memref_slice %arg4[%multiple_of3A, %dma_start3A_310] : memref<5120x64xi32, #tpu.memory_space<hbm>> -> memref<16x64xi32, #tpu.memory_space<hbm>>
        tpu.enqueue_dma source(%dma_start3A_311 : memref<16x64xi32, #tpu.memory_space<hbm>>) target(%dma_start3A_309 : memref<16x64xi32, #tpu.memory_space<vmem>>) target_semaphore(%arg12 : memref<!tpu.dma_semaphore, #tpu.memory_space<semaphore_mem>>)
      } else {
      }
      %add3A_105 = arith.constant 0 : i32
      %add3A_106 = arith.addi %mul3A_86, %add3A_105 : i32
      %div3A = arith.constant 16 : i32
      %div3A_107 = arith.divsi %add3A_106, %div3A : i32
      %rem3A_108 = arith.constant 3 : i32
      %rem3A_109 = arith.remsi %div3A_107, %rem3A_108 : i32
      %rem3A_110 = arith.constant 16 : i32
      %rem3A_111 = arith.remsi %add3A_106, %rem3A_110 : i32
      %dma_wait3A_112 = arith.constant 0 : i32
      %dma_wait3A_113 = arith.constant 0 : i32
      %dma_wait3A_114 = arith.constant 0 : i32
      %dma_wait3A_115 = arith.constant 0 : i32
      %dma_wait3A_116 = tpu.memref_slice %arg9[%dma_wait3A_112, %dma_wait3A_114, %dma_wait3A_115] : memref<4x64x128xf32, #tpu.memory_space<vmem>> -> memref<1x64x128xf32, #tpu.memory_space<vmem>>
      %dma_wait3A_117 = tpu.memref_squeeze %dma_wait3A_116 : memref<1x64x128xf32, #tpu.memory_space<vmem>> -> memref<64x128xf32, #tpu.memory_space<vmem>>
      %dma_wait3A_118 = arith.constant 0 : i32
      %dma_wait3A_119 = tpu.memref_slice %arg7[%dma_wait3A_118] : memref<10240xi32, #tpu.memory_space<vmem>> -> memref<64xi32, #tpu.memory_space<vmem>>
      %dma_wait3A_120 = arith.constant 0 : i32
      %dma_wait3A_121 = arith.constant 0 : i32
      %dma_wait3A_122 = tpu.memref_slice %arg2[%dma_wait3A_120, %dma_wait3A_121] : memref<10000x128xf32, #tpu.memory_space<hbm>> -> memref<10000x128xf32, #tpu.memory_space<hbm>>
      %dma_wait3A_123 = tpu.memref_slice %arg11[%dma_wait3A_113] : memref<4x!tpu.dma_semaphore, #tpu.memory_space<semaphore_mem>> -> memref<1x!tpu.dma_semaphore, #tpu.memory_space<semaphore_mem>>
      %dma_wait3A_124 = tpu.memref_squeeze %dma_wait3A_123 : memref<1x!tpu.dma_semaphore, #tpu.memory_space<semaphore_mem>> -> memref<!tpu.dma_semaphore, #tpu.memory_space<semaphore_mem>>
      tpu.wait_indirect_dma semaphore(%dma_wait3A_124 : memref<!tpu.dma_semaphore, #tpu.memory_space<semaphore_mem>>) src(%dma_wait3A_122 : memref<10000x128xf32, #tpu.memory_space<hbm>>) dst(%dma_wait3A_117 : memref<64x128xf32, #tpu.memory_space<vmem>>)
      %dma_start3A_125 = arith.constant 0 : i32
      %dma_start3A_126 = arith.constant 0 : i32
      %dma_start3A_127 = arith.constant 0 : i32
      %dma_start3A_128 = arith.constant 0 : i32
      %dma_start3A_129 = tpu.memref_slice %arg9[%dma_start3A_125, %dma_start3A_127, %dma_start3A_128] : memref<4x64x128xf32, #tpu.memory_space<vmem>> -> memref<1x64x128xf32, #tpu.memory_space<vmem>>
      %dma_start3A_130 = tpu.memref_squeeze %dma_start3A_129 : memref<1x64x128xf32, #tpu.memory_space<vmem>> -> memref<64x128xf32, #tpu.memory_space<vmem>>
      %dma_start3A_131 = arith.constant 0 : i32
      %dma_start3A_132 = tpu.memref_slice %arg8[%rem3A_109, %rem3A_111, %dma_start3A_131] : memref<3x16x64xi32, #tpu.memory_space<vmem>> -> memref<1x1x64xi32, #tpu.memory_space<vmem>>
      %dma_start3A_133 = tpu.memref_squeeze %dma_start3A_132 : memref<1x1x64xi32, #tpu.memory_space<vmem>> -> memref<64xi32, #tpu.memory_space<vmem>>
      %dma_start3A_134 = arith.constant 0 : i32
      %dma_start3A_135 = arith.constant 0 : i32
      %dma_start3A_136 = tpu.memref_slice %arg10[%dma_start3A_134, %dma_start3A_135] : memref<10112x128xf32, #tpu.memory_space<vmem_shared>> -> memref<10112x128xf32, #tpu.memory_space<vmem_shared>>
      %dma_start3A_137 = tpu.memref_slice %arg11[%dma_start3A_126] : memref<4x!tpu.dma_semaphore, #tpu.memory_space<semaphore_mem>> -> memref<1x!tpu.dma_semaphore, #tpu.memory_space<semaphore_mem>>
      %dma_start3A_138 = tpu.memref_squeeze %dma_start3A_137 : memref<1x!tpu.dma_semaphore, #tpu.memory_space<semaphore_mem>> -> memref<!tpu.dma_semaphore, #tpu.memory_space<semaphore_mem>>
      tpu.enqueue_indirect_dma source(%dma_start3A_130 : memref<64x128xf32, #tpu.memory_space<vmem>>) target(%dma_start3A_136 : memref<10112x128xf32, #tpu.memory_space<vmem_shared>>) offsets(%dma_start3A_133 : memref<64xi32, #tpu.memory_space<vmem>>) semaphore(%dma_start3A_138 : memref<!tpu.dma_semaphore, #tpu.memory_space<semaphore_mem>>) {add = true}
      %ge3A = arith.constant 2 : i32
      %ge3A_139 = arith.cmpi sge, %add3A_106, %ge3A : i32
      %convert_element_type3A_140 = arith.extui %ge3A_139 : i1 to i32
      %cond3A_141 = arith.constant 0 : i32
      %cond3A_142 = arith.cmpi ne, %convert_element_type3A_140, %cond3A_141 : i32
      scf.if %cond3A_142 {
        %dma_wait3A_291 = arith.constant 2 : i32
        %dma_wait3A_292 = arith.constant 2 : i32
        %dma_wait3A_293 = arith.constant 0 : i32
        %dma_wait3A_294 = arith.constant 0 : i32
        %dma_wait3A_295 = tpu.memref_slice %arg9[%dma_wait3A_291, %dma_wait3A_293, %dma_wait3A_294] : memref<4x64x128xf32, #tpu.memory_space<vmem>> -> memref<1x64x128xf32, #tpu.memory_space<vmem>>
        %dma_wait3A_296 = tpu.memref_squeeze %dma_wait3A_295 : memref<1x64x128xf32, #tpu.memory_space<vmem>> -> memref<64x128xf32, #tpu.memory_space<vmem>>
        %dma_wait3A_297 = arith.constant 0 : i32
        %dma_wait3A_298 = tpu.memref_slice %arg8[%rem3A_109, %rem3A_111, %dma_wait3A_297] : memref<3x16x64xi32, #tpu.memory_space<vmem>> -> memref<1x1x64xi32, #tpu.memory_space<vmem>>
        %dma_wait3A_299 = tpu.memref_squeeze %dma_wait3A_298 : memref<1x1x64xi32, #tpu.memory_space<vmem>> -> memref<64xi32, #tpu.memory_space<vmem>>
        %dma_wait3A_300 = arith.constant 0 : i32
        %dma_wait3A_301 = arith.constant 0 : i32
        %dma_wait3A_302 = tpu.memref_slice %arg10[%dma_wait3A_300, %dma_wait3A_301] : memref<10112x128xf32, #tpu.memory_space<vmem_shared>> -> memref<10112x128xf32, #tpu.memory_space<vmem_shared>>
        %dma_wait3A_303 = tpu.memref_slice %arg11[%dma_wait3A_292] : memref<4x!tpu.dma_semaphore, #tpu.memory_space<semaphore_mem>> -> memref<1x!tpu.dma_semaphore, #tpu.memory_space<semaphore_mem>>
        %dma_wait3A_304 = tpu.memref_squeeze %dma_wait3A_303 : memref<1x!tpu.dma_semaphore, #tpu.memory_space<semaphore_mem>> -> memref<!tpu.dma_semaphore, #tpu.memory_space<semaphore_mem>>
        tpu.wait_indirect_dma semaphore(%dma_wait3A_304 : memref<!tpu.dma_semaphore, #tpu.memory_space<semaphore_mem>>) src(%dma_wait3A_296 : memref<64x128xf32, #tpu.memory_space<vmem>>) dst(%dma_wait3A_302 : memref<10112x128xf32, #tpu.memory_space<vmem_shared>>)
      } else {
      }
      %add3A_143 = arith.constant 2 : i32
      %add3A_144 = arith.addi %add3A_106, %add3A_143 : i32
      %lt3A_145 = arith.constant 160 : i32
      %lt3A_146 = arith.cmpi slt, %add3A_144, %lt3A_145 : i32
      %convert_element_type3A_147 = arith.extui %lt3A_146 : i1 to i32
      %cond3A_148 = arith.constant 0 : i32
      %cond3A_149 = arith.cmpi ne, %convert_element_type3A_147, %cond3A_148 : i32
      scf.if %cond3A_149 {
        %add3A_291 = arith.constant 2 : i32
        %add3A_292 = arith.addi %add3A_106, %add3A_291 : i32
        %mul3A_293 = arith.constant 64 : i32
        %mul3A_294 = arith.muli %add3A_292, %mul3A_293 : i32
        %dma_start3A_295 = arith.constant 2 : i32
        %dma_start3A_296 = arith.constant 2 : i32
        %dma_start3A_297 = arith.constant 0 : i32
        %dma_start3A_298 = arith.constant 0 : i32
        %dma_start3A_299 = tpu.memref_slice %arg9[%dma_start3A_295, %dma_start3A_297, %dma_start3A_298] : memref<4x64x128xf32, #tpu.memory_space<vmem>> -> memref<1x64x128xf32, #tpu.memory_space<vmem>>
        %dma_start3A_300 = tpu.memref_squeeze %dma_start3A_299 : memref<1x64x128xf32, #tpu.memory_space<vmem>> -> memref<64x128xf32, #tpu.memory_space<vmem>>
        %dma_start3A_301 = tpu.memref_slice %arg7[%mul3A_294] : memref<10240xi32, #tpu.memory_space<vmem>> -> memref<64xi32, #tpu.memory_space<vmem>>
        %dma_start3A_302 = arith.constant 0 : i32
        %dma_start3A_303 = arith.constant 0 : i32
        %dma_start3A_304 = tpu.memref_slice %arg2[%dma_start3A_302, %dma_start3A_303] : memref<10000x128xf32, #tpu.memory_space<hbm>> -> memref<10000x128xf32, #tpu.memory_space<hbm>>
        %dma_start3A_305 = tpu.memref_slice %arg11[%dma_start3A_296] : memref<4x!tpu.dma_semaphore, #tpu.memory_space<semaphore_mem>> -> memref<1x!tpu.dma_semaphore, #tpu.memory_space<semaphore_mem>>
        %dma_start3A_306 = tpu.memref_squeeze %dma_start3A_305 : memref<1x!tpu.dma_semaphore, #tpu.memory_space<semaphore_mem>> -> memref<!tpu.dma_semaphore, #tpu.memory_space<semaphore_mem>>
        tpu.enqueue_indirect_dma source(%dma_start3A_304 : memref<10000x128xf32, #tpu.memory_space<hbm>>) target(%dma_start3A_300 : memref<64x128xf32, #tpu.memory_space<vmem>>) offsets(%dma_start3A_301 : memref<64xi32, #tpu.memory_space<vmem>>) semaphore(%dma_start3A_306 : memref<!tpu.dma_semaphore, #tpu.memory_space<semaphore_mem>>)
      } else {
      }
      %add3A_150 = arith.constant 1 : i32
      %add3A_151 = arith.addi %mul3A_86, %add3A_150 : i32
      %div3A_152 = arith.constant 16 : i32
      %div3A_153 = arith.divsi %add3A_151, %div3A_152 : i32
      %rem3A_154 = arith.constant 3 : i32
      %rem3A_155 = arith.remsi %div3A_153, %rem3A_154 : i32
      %rem3A_156 = arith.constant 16 : i32
      %rem3A_157 = arith.remsi %add3A_151, %rem3A_156 : i32
      %dma_wait3A_158 = arith.constant 1 : i32
      %dma_wait3A_159 = arith.constant 1 : i32
      %dma_wait3A_160 = arith.constant 0 : i32
      %dma_wait3A_161 = arith.constant 0 : i32
      %dma_wait3A_162 = tpu.memref_slice %arg9[%dma_wait3A_158, %dma_wait3A_160, %dma_wait3A_161] : memref<4x64x128xf32, #tpu.memory_space<vmem>> -> memref<1x64x128xf32, #tpu.memory_space<vmem>>
      %dma_wait3A_163 = tpu.memref_squeeze %dma_wait3A_162 : memref<1x64x128xf32, #tpu.memory_space<vmem>> -> memref<64x128xf32, #tpu.memory_space<vmem>>
      %dma_wait3A_164 = arith.constant 0 : i32
      %dma_wait3A_165 = tpu.memref_slice %arg7[%dma_wait3A_164] : memref<10240xi32, #tpu.memory_space<vmem>> -> memref<64xi32, #tpu.memory_space<vmem>>
      %dma_wait3A_166 = arith.constant 0 : i32
      %dma_wait3A_167 = arith.constant 0 : i32
      %dma_wait3A_168 = tpu.memref_slice %arg2[%dma_wait3A_166, %dma_wait3A_167] : memref<10000x128xf32, #tpu.memory_space<hbm>> -> memref<10000x128xf32, #tpu.memory_space<hbm>>
      %dma_wait3A_169 = tpu.memref_slice %arg11[%dma_wait3A_159] : memref<4x!tpu.dma_semaphore, #tpu.memory_space<semaphore_mem>> -> memref<1x!tpu.dma_semaphore, #tpu.memory_space<semaphore_mem>>
      %dma_wait3A_170 = tpu.memref_squeeze %dma_wait3A_169 : memref<1x!tpu.dma_semaphore, #tpu.memory_space<semaphore_mem>> -> memref<!tpu.dma_semaphore, #tpu.memory_space<semaphore_mem>>
      tpu.wait_indirect_dma semaphore(%dma_wait3A_170 : memref<!tpu.dma_semaphore, #tpu.memory_space<semaphore_mem>>) src(%dma_wait3A_168 : memref<10000x128xf32, #tpu.memory_space<hbm>>) dst(%dma_wait3A_163 : memref<64x128xf32, #tpu.memory_space<vmem>>)
      %dma_start3A_171 = arith.constant 1 : i32
      %dma_start3A_172 = arith.constant 1 : i32
      %dma_start3A_173 = arith.constant 0 : i32
      %dma_start3A_174 = arith.constant 0 : i32
      %dma_start3A_175 = tpu.memref_slice %arg9[%dma_start3A_171, %dma_start3A_173, %dma_start3A_174] : memref<4x64x128xf32, #tpu.memory_space<vmem>> -> memref<1x64x128xf32, #tpu.memory_space<vmem>>
      %dma_start3A_176 = tpu.memref_squeeze %dma_start3A_175 : memref<1x64x128xf32, #tpu.memory_space<vmem>> -> memref<64x128xf32, #tpu.memory_space<vmem>>
      %dma_start3A_177 = arith.constant 0 : i32
      %dma_start3A_178 = tpu.memref_slice %arg8[%rem3A_155, %rem3A_157, %dma_start3A_177] : memref<3x16x64xi32, #tpu.memory_space<vmem>> -> memref<1x1x64xi32, #tpu.memory_space<vmem>>
      %dma_start3A_179 = tpu.memref_squeeze %dma_start3A_178 : memref<1x1x64xi32, #tpu.memory_space<vmem>> -> memref<64xi32, #tpu.memory_space<vmem>>
      %dma_start3A_180 = arith.constant 0 : i32
      %dma_start3A_181 = arith.constant 0 : i32
      %dma_start3A_182 = tpu.memref_slice %arg10[%dma_start3A_180, %dma_start3A_181] : memref<10112x128xf32, #tpu.memory_space<vmem_shared>> -> memref<10112x128xf32, #tpu.memory_space<vmem_shared>>
      %dma_start3A_183 = tpu.memref_slice %arg11[%dma_start3A_172] : memref<4x!tpu.dma_semaphore, #tpu.memory_space<semaphore_mem>> -> memref<1x!tpu.dma_semaphore, #tpu.memory_space<semaphore_mem>>
      %dma_start3A_184 = tpu.memref_squeeze %dma_start3A_183 : memref<1x!tpu.dma_semaphore, #tpu.memory_space<semaphore_mem>> -> memref<!tpu.dma_semaphore, #tpu.memory_space<semaphore_mem>>
      tpu.enqueue_indirect_dma source(%dma_start3A_176 : memref<64x128xf32, #tpu.memory_space<vmem>>) target(%dma_start3A_182 : memref<10112x128xf32, #tpu.memory_space<vmem_shared>>) offsets(%dma_start3A_179 : memref<64xi32, #tpu.memory_space<vmem>>) semaphore(%dma_start3A_184 : memref<!tpu.dma_semaphore, #tpu.memory_space<semaphore_mem>>) {add = true}
      %ge3A_185 = arith.constant 2 : i32
      %ge3A_186 = arith.cmpi sge, %add3A_151, %ge3A_185 : i32
      %convert_element_type3A_187 = arith.extui %ge3A_186 : i1 to i32
      %cond3A_188 = arith.constant 0 : i32
      %cond3A_189 = arith.cmpi ne, %convert_element_type3A_187, %cond3A_188 : i32
      scf.if %cond3A_189 {
        %dma_wait3A_291 = arith.constant 3 : i32
        %dma_wait3A_292 = arith.constant 3 : i32
        %dma_wait3A_293 = arith.constant 0 : i32
        %dma_wait3A_294 = arith.constant 0 : i32
        %dma_wait3A_295 = tpu.memref_slice %arg9[%dma_wait3A_291, %dma_wait3A_293, %dma_wait3A_294] : memref<4x64x128xf32, #tpu.memory_space<vmem>> -> memref<1x64x128xf32, #tpu.memory_space<vmem>>
        %dma_wait3A_296 = tpu.memref_squeeze %dma_wait3A_295 : memref<1x64x128xf32, #tpu.memory_space<vmem>> -> memref<64x128xf32, #tpu.memory_space<vmem>>
        %dma_wait3A_297 = arith.constant 0 : i32
        %dma_wait3A_298 = tpu.memref_slice %arg8[%rem3A_155, %rem3A_157, %dma_wait3A_297] : memref<3x16x64xi32, #tpu.memory_space<vmem>> -> memref<1x1x64xi32, #tpu.memory_space<vmem>>
        %dma_wait3A_299 = tpu.memref_squeeze %dma_wait3A_298 : memref<1x1x64xi32, #tpu.memory_space<vmem>> -> memref<64xi32, #tpu.memory_space<vmem>>
        %dma_wait3A_300 = arith.constant 0 : i32
        %dma_wait3A_301 = arith.constant 0 : i32
        %dma_wait3A_302 = tpu.memref_slice %arg10[%dma_wait3A_300, %dma_wait3A_301] : memref<10112x128xf32, #tpu.memory_space<vmem_shared>> -> memref<10112x128xf32, #tpu.memory_space<vmem_shared>>
        %dma_wait3A_303 = tpu.memref_slice %arg11[%dma_wait3A_292] : memref<4x!tpu.dma_semaphore, #tpu.memory_space<semaphore_mem>> -> memref<1x!tpu.dma_semaphore, #tpu.memory_space<semaphore_mem>>
        %dma_wait3A_304 = tpu.memref_squeeze %dma_wait3A_303 : memref<1x!tpu.dma_semaphore, #tpu.memory_space<semaphore_mem>> -> memref<!tpu.dma_semaphore, #tpu.memory_space<semaphore_mem>>
        tpu.wait_indirect_dma semaphore(%dma_wait3A_304 : memref<!tpu.dma_semaphore, #tpu.memory_space<semaphore_mem>>) src(%dma_wait3A_296 : memref<64x128xf32, #tpu.memory_space<vmem>>) dst(%dma_wait3A_302 : memref<10112x128xf32, #tpu.memory_space<vmem_shared>>)
      } else {
      }
      %add3A_190 = arith.constant 2 : i32
      %add3A_191 = arith.addi %add3A_151, %add3A_190 : i32
      %lt3A_192 = arith.constant 160 : i32
      %lt3A_193 = arith.cmpi slt, %add3A_191, %lt3A_192 : i32
      %convert_element_type3A_194 = arith.extui %lt3A_193 : i1 to i32
      %cond3A_195 = arith.constant 0 : i32
      %cond3A_196 = arith.cmpi ne, %convert_element_type3A_194, %cond3A_195 : i32
      scf.if %cond3A_196 {
        %add3A_291 = arith.constant 2 : i32
        %add3A_292 = arith.addi %add3A_151, %add3A_291 : i32
        %mul3A_293 = arith.constant 64 : i32
        %mul3A_294 = arith.muli %add3A_292, %mul3A_293 : i32
        %dma_start3A_295 = arith.constant 3 : i32
        %dma_start3A_296 = arith.constant 3 : i32
        %dma_start3A_297 = arith.constant 0 : i32
        %dma_start3A_298 = arith.constant 0 : i32
        %dma_start3A_299 = tpu.memref_slice %arg9[%dma_start3A_295, %dma_start3A_297, %dma_start3A_298] : memref<4x64x128xf32, #tpu.memory_space<vmem>> -> memref<1x64x128xf32, #tpu.memory_space<vmem>>
        %dma_start3A_300 = tpu.memref_squeeze %dma_start3A_299 : memref<1x64x128xf32, #tpu.memory_space<vmem>> -> memref<64x128xf32, #tpu.memory_space<vmem>>
        %dma_start3A_301 = tpu.memref_slice %arg7[%mul3A_294] : memref<10240xi32, #tpu.memory_space<vmem>> -> memref<64xi32, #tpu.memory_space<vmem>>
        %dma_start3A_302 = arith.constant 0 : i32
        %dma_start3A_303 = arith.constant 0 : i32
        %dma_start3A_304 = tpu.memref_slice %arg2[%dma_start3A_302, %dma_start3A_303] : memref<10000x128xf32, #tpu.memory_space<hbm>> -> memref<10000x128xf32, #tpu.memory_space<hbm>>
        %dma_start3A_305 = tpu.memref_slice %arg11[%dma_start3A_296] : memref<4x!tpu.dma_semaphore, #tpu.memory_space<semaphore_mem>> -> memref<1x!tpu.dma_semaphore, #tpu.memory_space<semaphore_mem>>
        %dma_start3A_306 = tpu.memref_squeeze %dma_start3A_305 : memref<1x!tpu.dma_semaphore, #tpu.memory_space<semaphore_mem>> -> memref<!tpu.dma_semaphore, #tpu.memory_space<semaphore_mem>>
        tpu.enqueue_indirect_dma source(%dma_start3A_304 : memref<10000x128xf32, #tpu.memory_space<hbm>>) target(%dma_start3A_300 : memref<64x128xf32, #tpu.memory_space<vmem>>) offsets(%dma_start3A_301 : memref<64xi32, #tpu.memory_space<vmem>>) semaphore(%dma_start3A_306 : memref<!tpu.dma_semaphore, #tpu.memory_space<semaphore_mem>>)
      } else {
      }
      %add3A_197 = arith.constant 2 : i32
      %add3A_198 = arith.addi %mul3A_86, %add3A_197 : i32
      %div3A_199 = arith.constant 16 : i32
      %div3A_200 = arith.divsi %add3A_198, %div3A_199 : i32
      %rem3A_201 = arith.constant 3 : i32
      %rem3A_202 = arith.remsi %div3A_200, %rem3A_201 : i32
      %rem3A_203 = arith.constant 16 : i32
      %rem3A_204 = arith.remsi %add3A_198, %rem3A_203 : i32
      %dma_wait3A_205 = arith.constant 2 : i32
      %dma_wait3A_206 = arith.constant 2 : i32
      %dma_wait3A_207 = arith.constant 0 : i32
      %dma_wait3A_208 = arith.constant 0 : i32
      %dma_wait3A_209 = tpu.memref_slice %arg9[%dma_wait3A_205, %dma_wait3A_207, %dma_wait3A_208] : memref<4x64x128xf32, #tpu.memory_space<vmem>> -> memref<1x64x128xf32, #tpu.memory_space<vmem>>
      %dma_wait3A_210 = tpu.memref_squeeze %dma_wait3A_209 : memref<1x64x128xf32, #tpu.memory_space<vmem>> -> memref<64x128xf32, #tpu.memory_space<vmem>>
      %dma_wait3A_211 = arith.constant 0 : i32
      %dma_wait3A_212 = tpu.memref_slice %arg7[%dma_wait3A_211] : memref<10240xi32, #tpu.memory_space<vmem>> -> memref<64xi32, #tpu.memory_space<vmem>>
      %dma_wait3A_213 = arith.constant 0 : i32
      %dma_wait3A_214 = arith.constant 0 : i32
      %dma_wait3A_215 = tpu.memref_slice %arg2[%dma_wait3A_213, %dma_wait3A_214] : memref<10000x128xf32, #tpu.memory_space<hbm>> -> memref<10000x128xf32, #tpu.memory_space<hbm>>
      %dma_wait3A_216 = tpu.memref_slice %arg11[%dma_wait3A_206] : memref<4x!tpu.dma_semaphore, #tpu.memory_space<semaphore_mem>> -> memref<1x!tpu.dma_semaphore, #tpu.memory_space<semaphore_mem>>
      %dma_wait3A_217 = tpu.memref_squeeze %dma_wait3A_216 : memref<1x!tpu.dma_semaphore, #tpu.memory_space<semaphore_mem>> -> memref<!tpu.dma_semaphore, #tpu.memory_space<semaphore_mem>>
      tpu.wait_indirect_dma semaphore(%dma_wait3A_217 : memref<!tpu.dma_semaphore, #tpu.memory_space<semaphore_mem>>) src(%dma_wait3A_215 : memref<10000x128xf32, #tpu.memory_space<hbm>>) dst(%dma_wait3A_210 : memref<64x128xf32, #tpu.memory_space<vmem>>)
      %dma_start3A_218 = arith.constant 2 : i32
      %dma_start3A_219 = arith.constant 2 : i32
      %dma_start3A_220 = arith.constant 0 : i32
      %dma_start3A_221 = arith.constant 0 : i32
      %dma_start3A_222 = tpu.memref_slice %arg9[%dma_start3A_218, %dma_start3A_220, %dma_start3A_221] : memref<4x64x128xf32, #tpu.memory_space<vmem>> -> memref<1x64x128xf32, #tpu.memory_space<vmem>>
      %dma_start3A_223 = tpu.memref_squeeze %dma_start3A_222 : memref<1x64x128xf32, #tpu.memory_space<vmem>> -> memref<64x128xf32, #tpu.memory_space<vmem>>
      %dma_start3A_224 = arith.constant 0 : i32
      %dma_start3A_225 = tpu.memref_slice %arg8[%rem3A_202, %rem3A_204, %dma_start3A_224] : memref<3x16x64xi32, #tpu.memory_space<vmem>> -> memref<1x1x64xi32, #tpu.memory_space<vmem>>
      %dma_start3A_226 = tpu.memref_squeeze %dma_start3A_225 : memref<1x1x64xi32, #tpu.memory_space<vmem>> -> memref<64xi32, #tpu.memory_space<vmem>>
      %dma_start3A_227 = arith.constant 0 : i32
      %dma_start3A_228 = arith.constant 0 : i32
      %dma_start3A_229 = tpu.memref_slice %arg10[%dma_start3A_227, %dma_start3A_228] : memref<10112x128xf32, #tpu.memory_space<vmem_shared>> -> memref<10112x128xf32, #tpu.memory_space<vmem_shared>>
      %dma_start3A_230 = tpu.memref_slice %arg11[%dma_start3A_219] : memref<4x!tpu.dma_semaphore, #tpu.memory_space<semaphore_mem>> -> memref<1x!tpu.dma_semaphore, #tpu.memory_space<semaphore_mem>>
      %dma_start3A_231 = tpu.memref_squeeze %dma_start3A_230 : memref<1x!tpu.dma_semaphore, #tpu.memory_space<semaphore_mem>> -> memref<!tpu.dma_semaphore, #tpu.memory_space<semaphore_mem>>
      tpu.enqueue_indirect_dma source(%dma_start3A_223 : memref<64x128xf32, #tpu.memory_space<vmem>>) target(%dma_start3A_229 : memref<10112x128xf32, #tpu.memory_space<vmem_shared>>) offsets(%dma_start3A_226 : memref<64xi32, #tpu.memory_space<vmem>>) semaphore(%dma_start3A_231 : memref<!tpu.dma_semaphore, #tpu.memory_space<semaphore_mem>>) {add = true}
      %ge3A_232 = arith.constant 2 : i32
      %ge3A_233 = arith.cmpi sge, %add3A_198, %ge3A_232 : i32
      %convert_element_type3A_234 = arith.extui %ge3A_233 : i1 to i32
      %cond3A_235 = arith.constant 0 : i32
      %cond3A_236 = arith.cmpi ne, %convert_element_type3A_234, %cond3A_235 : i32
      scf.if %cond3A_236 {
        %dma_wait3A_291 = arith.constant 0 : i32
        %dma_wait3A_292 = arith.constant 0 : i32
        %dma_wait3A_293 = arith.constant 0 : i32
        %dma_wait3A_294 = arith.constant 0 : i32
        %dma_wait3A_295 = tpu.memref_slice %arg9[%dma_wait3A_291, %dma_wait3A_293, %dma_wait3A_294] : memref<4x64x128xf32, #tpu.memory_space<vmem>> -> memref<1x64x128xf32, #tpu.memory_space<vmem>>
        %dma_wait3A_296 = tpu.memref_squeeze %dma_wait3A_295 : memref<1x64x128xf32, #tpu.memory_space<vmem>> -> memref<64x128xf32, #tpu.memory_space<vmem>>
        %dma_wait3A_297 = arith.constant 0 : i32
        %dma_wait3A_298 = tpu.memref_slice %arg8[%rem3A_202, %rem3A_204, %dma_wait3A_297] : memref<3x16x64xi32, #tpu.memory_space<vmem>> -> memref<1x1x64xi32, #tpu.memory_space<vmem>>
        %dma_wait3A_299 = tpu.memref_squeeze %dma_wait3A_298 : memref<1x1x64xi32, #tpu.memory_space<vmem>> -> memref<64xi32, #tpu.memory_space<vmem>>
        %dma_wait3A_300 = arith.constant 0 : i32
        %dma_wait3A_301 = arith.constant 0 : i32
        %dma_wait3A_302 = tpu.memref_slice %arg10[%dma_wait3A_300, %dma_wait3A_301] : memref<10112x128xf32, #tpu.memory_space<vmem_shared>> -> memref<10112x128xf32, #tpu.memory_space<vmem_shared>>
        %dma_wait3A_303 = tpu.memref_slice %arg11[%dma_wait3A_292] : memref<4x!tpu.dma_semaphore, #tpu.memory_space<semaphore_mem>> -> memref<1x!tpu.dma_semaphore, #tpu.memory_space<semaphore_mem>>
        %dma_wait3A_304 = tpu.memref_squeeze %dma_wait3A_303 : memref<1x!tpu.dma_semaphore, #tpu.memory_space<semaphore_mem>> -> memref<!tpu.dma_semaphore, #tpu.memory_space<semaphore_mem>>
        tpu.wait_indirect_dma semaphore(%dma_wait3A_304 : memref<!tpu.dma_semaphore, #tpu.memory_space<semaphore_mem>>) src(%dma_wait3A_296 : memref<64x128xf32, #tpu.memory_space<vmem>>) dst(%dma_wait3A_302 : memref<10112x128xf32, #tpu.memory_space<vmem_shared>>)
      } else {
      }
      %add3A_237 = arith.constant 2 : i32
      %add3A_238 = arith.addi %add3A_198, %add3A_237 : i32
      %lt3A_239 = arith.constant 160 : i32
      %lt3A_240 = arith.cmpi slt, %add3A_238, %lt3A_239 : i32
      %convert_element_type3A_241 = arith.extui %lt3A_240 : i1 to i32
      %cond3A_242 = arith.constant 0 : i32
      %cond3A_243 = arith.cmpi ne, %convert_element_type3A_241, %cond3A_242 : i32
      scf.if %cond3A_243 {
        %add3A_291 = arith.constant 2 : i32
        %add3A_292 = arith.addi %add3A_198, %add3A_291 : i32
        %mul3A_293 = arith.constant 64 : i32
        %mul3A_294 = arith.muli %add3A_292, %mul3A_293 : i32
        %dma_start3A_295 = arith.constant 0 : i32
        %dma_start3A_296 = arith.constant 0 : i32
        %dma_start3A_297 = arith.constant 0 : i32
        %dma_start3A_298 = arith.constant 0 : i32
        %dma_start3A_299 = tpu.memref_slice %arg9[%dma_start3A_295, %dma_start3A_297, %dma_start3A_298] : memref<4x64x128xf32, #tpu.memory_space<vmem>> -> memref<1x64x128xf32, #tpu.memory_space<vmem>>
        %dma_start3A_300 = tpu.memref_squeeze %dma_start3A_299 : memref<1x64x128xf32, #tpu.memory_space<vmem>> -> memref<64x128xf32, #tpu.memory_space<vmem>>
        %dma_start3A_301 = tpu.memref_slice %arg7[%mul3A_294] : memref<10240xi32, #tpu.memory_space<vmem>> -> memref<64xi32, #tpu.memory_space<vmem>>
        %dma_start3A_302 = arith.constant 0 : i32
        %dma_start3A_303 = arith.constant 0 : i32
        %dma_start3A_304 = tpu.memref_slice %arg2[%dma_start3A_302, %dma_start3A_303] : memref<10000x128xf32, #tpu.memory_space<hbm>> -> memref<10000x128xf32, #tpu.memory_space<hbm>>
        %dma_start3A_305 = tpu.memref_slice %arg11[%dma_start3A_296] : memref<4x!tpu.dma_semaphore, #tpu.memory_space<semaphore_mem>> -> memref<1x!tpu.dma_semaphore, #tpu.memory_space<semaphore_mem>>
        %dma_start3A_306 = tpu.memref_squeeze %dma_start3A_305 : memref<1x!tpu.dma_semaphore, #tpu.memory_space<semaphore_mem>> -> memref<!tpu.dma_semaphore, #tpu.memory_space<semaphore_mem>>
        tpu.enqueue_indirect_dma source(%dma_start3A_304 : memref<10000x128xf32, #tpu.memory_space<hbm>>) target(%dma_start3A_300 : memref<64x128xf32, #tpu.memory_space<vmem>>) offsets(%dma_start3A_301 : memref<64xi32, #tpu.memory_space<vmem>>) semaphore(%dma_start3A_306 : memref<!tpu.dma_semaphore, #tpu.memory_space<semaphore_mem>>)
      } else {
      }
      %add3A_244 = arith.constant 3 : i32
      %add3A_245 = arith.addi %mul3A_86, %add3A_244 : i32
      %div3A_246 = arith.constant 16 : i32
      %div3A_247 = arith.divsi %add3A_245, %div3A_246 : i32
      %rem3A_248 = arith.constant 3 : i32
      %rem3A_249 = arith.remsi %div3A_247, %rem3A_248 : i32
      %rem3A_250 = arith.constant 16 : i32
      %rem3A_251 = arith.remsi %add3A_245, %rem3A_250 : i32
      %dma_wait3A_252 = arith.constant 3 : i32
      %dma_wait3A_253 = arith.constant 3 : i32
      %dma_wait3A_254 = arith.constant 0 : i32
      %dma_wait3A_255 = arith.constant 0 : i32
      %dma_wait3A_256 = tpu.memref_slice %arg9[%dma_wait3A_252, %dma_wait3A_254, %dma_wait3A_255] : memref<4x64x128xf32, #tpu.memory_space<vmem>> -> memref<1x64x128xf32, #tpu.memory_space<vmem>>
      %dma_wait3A_257 = tpu.memref_squeeze %dma_wait3A_256 : memref<1x64x128xf32, #tpu.memory_space<vmem>> -> memref<64x128xf32, #tpu.memory_space<vmem>>
      %dma_wait3A_258 = arith.constant 0 : i32
      %dma_wait3A_259 = tpu.memref_slice %arg7[%dma_wait3A_258] : memref<10240xi32, #tpu.memory_space<vmem>> -> memref<64xi32, #tpu.memory_space<vmem>>
      %dma_wait3A_260 = arith.constant 0 : i32
      %dma_wait3A_261 = arith.constant 0 : i32
      %dma_wait3A_262 = tpu.memref_slice %arg2[%dma_wait3A_260, %dma_wait3A_261] : memref<10000x128xf32, #tpu.memory_space<hbm>> -> memref<10000x128xf32, #tpu.memory_space<hbm>>
      %dma_wait3A_263 = tpu.memref_slice %arg11[%dma_wait3A_253] : memref<4x!tpu.dma_semaphore, #tpu.memory_space<semaphore_mem>> -> memref<1x!tpu.dma_semaphore, #tpu.memory_space<semaphore_mem>>
      %dma_wait3A_264 = tpu.memref_squeeze %dma_wait3A_263 : memref<1x!tpu.dma_semaphore, #tpu.memory_space<semaphore_mem>> -> memref<!tpu.dma_semaphore, #tpu.memory_space<semaphore_mem>>
      tpu.wait_indirect_dma semaphore(%dma_wait3A_264 : memref<!tpu.dma_semaphore, #tpu.memory_space<semaphore_mem>>) src(%dma_wait3A_262 : memref<10000x128xf32, #tpu.memory_space<hbm>>) dst(%dma_wait3A_257 : memref<64x128xf32, #tpu.memory_space<vmem>>)
      %dma_start3A_265 = arith.constant 3 : i32
      %dma_start3A_266 = arith.constant 3 : i32
      %dma_start3A_267 = arith.constant 0 : i32
      %dma_start3A_268 = arith.constant 0 : i32
      %dma_start3A_269 = tpu.memref_slice %arg9[%dma_start3A_265, %dma_start3A_267, %dma_start3A_268] : memref<4x64x128xf32, #tpu.memory_space<vmem>> -> memref<1x64x128xf32, #tpu.memory_space<vmem>>
      %dma_start3A_270 = tpu.memref_squeeze %dma_start3A_269 : memref<1x64x128xf32, #tpu.memory_space<vmem>> -> memref<64x128xf32, #tpu.memory_space<vmem>>
      %dma_start3A_271 = arith.constant 0 : i32
      %dma_start3A_272 = tpu.memref_slice %arg8[%rem3A_249, %rem3A_251, %dma_start3A_271] : memref<3x16x64xi32, #tpu.memory_space<vmem>> -> memref<1x1x64xi32, #tpu.memory_space<vmem>>
      %dma_start3A_273 = tpu.memref_squeeze %dma_start3A_272 : memref<1x1x64xi32, #tpu.memory_space<vmem>> -> memref<64xi32, #tpu.memory_space<vmem>>
      %dma_start3A_274 = arith.constant 0 : i32
      %dma_start3A_275 = arith.constant 0 : i32
      %dma_start3A_276 = tpu.memref_slice %arg10[%dma_start3A_274, %dma_start3A_275] : memref<10112x128xf32, #tpu.memory_space<vmem_shared>> -> memref<10112x128xf32, #tpu.memory_space<vmem_shared>>
      %dma_start3A_277 = tpu.memref_slice %arg11[%dma_start3A_266] : memref<4x!tpu.dma_semaphore, #tpu.memory_space<semaphore_mem>> -> memref<1x!tpu.dma_semaphore, #tpu.memory_space<semaphore_mem>>
      %dma_start3A_278 = tpu.memref_squeeze %dma_start3A_277 : memref<1x!tpu.dma_semaphore, #tpu.memory_space<semaphore_mem>> -> memref<!tpu.dma_semaphore, #tpu.memory_space<semaphore_mem>>
      tpu.enqueue_indirect_dma source(%dma_start3A_270 : memref<64x128xf32, #tpu.memory_space<vmem>>) target(%dma_start3A_276 : memref<10112x128xf32, #tpu.memory_space<vmem_shared>>) offsets(%dma_start3A_273 : memref<64xi32, #tpu.memory_space<vmem>>) semaphore(%dma_start3A_278 : memref<!tpu.dma_semaphore, #tpu.memory_space<semaphore_mem>>) {add = true}
      %ge3A_279 = arith.constant 2 : i32
      %ge3A_280 = arith.cmpi sge, %add3A_245, %ge3A_279 : i32
      %convert_element_type3A_281 = arith.extui %ge3A_280 : i1 to i32
      %cond3A_282 = arith.constant 0 : i32
      %cond3A_283 = arith.cmpi ne, %convert_element_type3A_281, %cond3A_282 : i32
      scf.if %cond3A_283 {
        %dma_wait3A_291 = arith.constant 1 : i32
        %dma_wait3A_292 = arith.constant 1 : i32
        %dma_wait3A_293 = arith.constant 0 : i32
        %dma_wait3A_294 = arith.constant 0 : i32
        %dma_wait3A_295 = tpu.memref_slice %arg9[%dma_wait3A_291, %dma_wait3A_293, %dma_wait3A_294] : memref<4x64x128xf32, #tpu.memory_space<vmem>> -> memref<1x64x128xf32, #tpu.memory_space<vmem>>
        %dma_wait3A_296 = tpu.memref_squeeze %dma_wait3A_295 : memref<1x64x128xf32, #tpu.memory_space<vmem>> -> memref<64x128xf32, #tpu.memory_space<vmem>>
        %dma_wait3A_297 = arith.constant 0 : i32
        %dma_wait3A_298 = tpu.memref_slice %arg8[%rem3A_249, %rem3A_251, %dma_wait3A_297] : memref<3x16x64xi32, #tpu.memory_space<vmem>> -> memref<1x1x64xi32, #tpu.memory_space<vmem>>
        %dma_wait3A_299 = tpu.memref_squeeze %dma_wait3A_298 : memref<1x1x64xi32, #tpu.memory_space<vmem>> -> memref<64xi32, #tpu.memory_space<vmem>>
        %dma_wait3A_300 = arith.constant 0 : i32
        %dma_wait3A_301 = arith.constant 0 : i32
        %dma_wait3A_302 = tpu.memref_slice %arg10[%dma_wait3A_300, %dma_wait3A_301] : memref<10112x128xf32, #tpu.memory_space<vmem_shared>> -> memref<10112x128xf32, #tpu.memory_space<vmem_shared>>
        %dma_wait3A_303 = tpu.memref_slice %arg11[%dma_wait3A_292] : memref<4x!tpu.dma_semaphore, #tpu.memory_space<semaphore_mem>> -> memref<1x!tpu.dma_semaphore, #tpu.memory_space<semaphore_mem>>
        %dma_wait3A_304 = tpu.memref_squeeze %dma_wait3A_303 : memref<1x!tpu.dma_semaphore, #tpu.memory_space<semaphore_mem>> -> memref<!tpu.dma_semaphore, #tpu.memory_space<semaphore_mem>>
        tpu.wait_indirect_dma semaphore(%dma_wait3A_304 : memref<!tpu.dma_semaphore, #tpu.memory_space<semaphore_mem>>) src(%dma_wait3A_296 : memref<64x128xf32, #tpu.memory_space<vmem>>) dst(%dma_wait3A_302 : memref<10112x128xf32, #tpu.memory_space<vmem_shared>>)
      } else {
      }
      %add3A_284 = arith.constant 2 : i32
      %add3A_285 = arith.addi %add3A_245, %add3A_284 : i32
      %lt3A_286 = arith.constant 160 : i32
      %lt3A_287 = arith.cmpi slt, %add3A_285, %lt3A_286 : i32
      %convert_element_type3A_288 = arith.extui %lt3A_287 : i1 to i32
      %cond3A_289 = arith.constant 0 : i32
      %cond3A_290 = arith.cmpi ne, %convert_element_type3A_288, %cond3A_289 : i32
      scf.if %cond3A_290 {
        %add3A_291 = arith.constant 2 : i32
        %add3A_292 = arith.addi %add3A_245, %add3A_291 : i32
        %mul3A_293 = arith.constant 64 : i32
        %mul3A_294 = arith.muli %add3A_292, %mul3A_293 : i32
        %dma_start3A_295 = arith.constant 1 : i32
        %dma_start3A_296 = arith.constant 1 : i32
        %dma_start3A_297 = arith.constant 0 : i32
        %dma_start3A_298 = arith.constant 0 : i32
        %dma_start3A_299 = tpu.memref_slice %arg9[%dma_start3A_295, %dma_start3A_297, %dma_start3A_298] : memref<4x64x128xf32, #tpu.memory_space<vmem>> -> memref<1x64x128xf32, #tpu.memory_space<vmem>>
        %dma_start3A_300 = tpu.memref_squeeze %dma_start3A_299 : memref<1x64x128xf32, #tpu.memory_space<vmem>> -> memref<64x128xf32, #tpu.memory_space<vmem>>
        %dma_start3A_301 = tpu.memref_slice %arg7[%mul3A_294] : memref<10240xi32, #tpu.memory_space<vmem>> -> memref<64xi32, #tpu.memory_space<vmem>>
        %dma_start3A_302 = arith.constant 0 : i32
        %dma_start3A_303 = arith.constant 0 : i32
        %dma_start3A_304 = tpu.memref_slice %arg2[%dma_start3A_302, %dma_start3A_303] : memref<10000x128xf32, #tpu.memory_space<hbm>> -> memref<10000x128xf32, #tpu.memory_space<hbm>>
        %dma_start3A_305 = tpu.memref_slice %arg11[%dma_start3A_296] : memref<4x!tpu.dma_semaphore, #tpu.memory_space<semaphore_mem>> -> memref<1x!tpu.dma_semaphore, #tpu.memory_space<semaphore_mem>>
        %dma_start3A_306 = tpu.memref_squeeze %dma_start3A_305 : memref<1x!tpu.dma_semaphore, #tpu.memory_space<semaphore_mem>> -> memref<!tpu.dma_semaphore, #tpu.memory_space<semaphore_mem>>
        tpu.enqueue_indirect_dma source(%dma_start3A_304 : memref<10000x128xf32, #tpu.memory_space<hbm>>) target(%dma_start3A_300 : memref<64x128xf32, #tpu.memory_space<vmem>>) offsets(%dma_start3A_301 : memref<64xi32, #tpu.memory_space<vmem>>) semaphore(%dma_start3A_306 : memref<!tpu.dma_semaphore, #tpu.memory_space<semaphore_mem>>)
      } else {
      }
    }
    %scan3A_53 = arith.constant 40 : i32
    %dma_wait3A = arith.constant 2 : i32
    %dma_wait3A_54 = arith.constant 2 : i32
    %dma_wait3A_55 = arith.constant 0 : i32
    %dma_wait3A_56 = arith.constant 0 : i32
    %dma_wait3A_57 = tpu.memref_slice %arg9[%dma_wait3A, %dma_wait3A_55, %dma_wait3A_56] : memref<4x64x128xf32, #tpu.memory_space<vmem>> -> memref<1x64x128xf32, #tpu.memory_space<vmem>>
    %dma_wait3A_58 = tpu.memref_squeeze %dma_wait3A_57 : memref<1x64x128xf32, #tpu.memory_space<vmem>> -> memref<64x128xf32, #tpu.memory_space<vmem>>
    %dma_wait3A_59 = arith.constant 0 : i32
    %dma_wait3A_60 = tpu.memref_slice %arg7[%dma_wait3A_59] : memref<10240xi32, #tpu.memory_space<vmem>> -> memref<64xi32, #tpu.memory_space<vmem>>
    %dma_wait3A_61 = arith.constant 0 : i32
    %dma_wait3A_62 = arith.constant 0 : i32
    %dma_wait3A_63 = tpu.memref_slice %arg2[%dma_wait3A_61, %dma_wait3A_62] : memref<10000x128xf32, #tpu.memory_space<hbm>> -> memref<10000x128xf32, #tpu.memory_space<hbm>>
    %dma_wait3A_64 = tpu.memref_slice %arg11[%dma_wait3A_54] : memref<4x!tpu.dma_semaphore, #tpu.memory_space<semaphore_mem>> -> memref<1x!tpu.dma_semaphore, #tpu.memory_space<semaphore_mem>>
    %dma_wait3A_65 = tpu.memref_squeeze %dma_wait3A_64 : memref<1x!tpu.dma_semaphore, #tpu.memory_space<semaphore_mem>> -> memref<!tpu.dma_semaphore, #tpu.memory_space<semaphore_mem>>
    tpu.wait_indirect_dma semaphore(%dma_wait3A_65 : memref<!tpu.dma_semaphore, #tpu.memory_space<semaphore_mem>>) src(%dma_wait3A_63 : memref<10000x128xf32, #tpu.memory_space<hbm>>) dst(%dma_wait3A_58 : memref<64x128xf32, #tpu.memory_space<vmem>>)
    %dma_wait3A_66 = arith.constant 3 : i32
    %dma_wait3A_67 = arith.constant 3 : i32
    %dma_wait3A_68 = arith.constant 0 : i32
    %dma_wait3A_69 = arith.constant 0 : i32
    %dma_wait3A_70 = tpu.memref_slice %arg9[%dma_wait3A_66, %dma_wait3A_68, %dma_wait3A_69] : memref<4x64x128xf32, #tpu.memory_space<vmem>> -> memref<1x64x128xf32, #tpu.memory_space<vmem>>
    %dma_wait3A_71 = tpu.memref_squeeze %dma_wait3A_70 : memref<1x64x128xf32, #tpu.memory_space<vmem>> -> memref<64x128xf32, #tpu.memory_space<vmem>>
    %dma_wait3A_72 = arith.constant 0 : i32
    %dma_wait3A_73 = tpu.memref_slice %arg7[%dma_wait3A_72] : memref<10240xi32, #tpu.memory_space<vmem>> -> memref<64xi32, #tpu.memory_space<vmem>>
    %dma_wait3A_74 = arith.constant 0 : i32
    %dma_wait3A_75 = arith.constant 0 : i32
    %dma_wait3A_76 = tpu.memref_slice %arg2[%dma_wait3A_74, %dma_wait3A_75] : memref<10000x128xf32, #tpu.memory_space<hbm>> -> memref<10000x128xf32, #tpu.memory_space<hbm>>
    %dma_wait3A_77 = tpu.memref_slice %arg11[%dma_wait3A_67] : memref<4x!tpu.dma_semaphore, #tpu.memory_space<semaphore_mem>> -> memref<1x!tpu.dma_semaphore, #tpu.memory_space<semaphore_mem>>
    %dma_wait3A_78 = tpu.memref_squeeze %dma_wait3A_77 : memref<1x!tpu.dma_semaphore, #tpu.memory_space<semaphore_mem>> -> memref<!tpu.dma_semaphore, #tpu.memory_space<semaphore_mem>>
    tpu.wait_indirect_dma semaphore(%dma_wait3A_78 : memref<!tpu.dma_semaphore, #tpu.memory_space<semaphore_mem>>) src(%dma_wait3A_76 : memref<10000x128xf32, #tpu.memory_space<hbm>>) dst(%dma_wait3A_71 : memref<64x128xf32, #tpu.memory_space<vmem>>)
    %barrier3A_79 = arith.constant 0 : index
    tpu.barrier barrier_id(%barrier3A_79)
    %mul3A_80 = arith.constant 632 : i32
    %mul3A_81 = arith.muli %arg1, %mul3A_80 : i32
    %mul3A_82 = arith.constant 632 : i32
    %mul3A_83 = arith.muli %arg1, %mul3A_82 : i32
    "tpu.region"() ({
      %run_scoped3A_84 = tpu.sem_alloc : memref<!tpu.dma_semaphore, #tpu.memory_space<semaphore_mem>>
      %dma_start3A_85 = arith.constant 0 : i32
      %dma_start3A_86 = tpu.memref_slice %arg6[%arg0, %mul3A_83, %dma_start3A_85] : memref<2x10112x128xf32, #tpu.memory_space<hbm>> -> memref<1x632x128xf32, #tpu.memory_space<hbm>>
      %dma_start3A_87 = tpu.memref_squeeze %dma_start3A_86 : memref<1x632x128xf32, #tpu.memory_space<hbm>> -> memref<632x128xf32, #tpu.memory_space<hbm>>
      %dma_start3A_88 = arith.constant 0 : i32
      %dma_start3A_89 = tpu.memref_slice %arg10[%mul3A_81, %dma_start3A_88] : memref<10112x128xf32, #tpu.memory_space<vmem_shared>> -> memref<632x128xf32, #tpu.memory_space<vmem_shared>>
      tpu.enqueue_dma source(%dma_start3A_89 : memref<632x128xf32, #tpu.memory_space<vmem_shared>>) target(%dma_start3A_87 : memref<632x128xf32, #tpu.memory_space<hbm>>) target_semaphore(%run_scoped3A_84 : memref<!tpu.dma_semaphore, #tpu.memory_space<semaphore_mem>>)
      %dma_wait3A_90 = arith.constant 0 : i32
      %dma_wait3A_91 = tpu.memref_slice %arg6[%arg0, %mul3A_83, %dma_wait3A_90] : memref<2x10112x128xf32, #tpu.memory_space<hbm>> -> memref<1x632x128xf32, #tpu.memory_space<hbm>>
      %dma_wait3A_92 = tpu.memref_squeeze %dma_wait3A_91 : memref<1x632x128xf32, #tpu.memory_space<hbm>> -> memref<632x128xf32, #tpu.memory_space<hbm>>
      %dma_wait3A_93 = arith.constant 0 : i32
      %dma_wait3A_94 = tpu.memref_slice %arg10[%mul3A_81, %dma_wait3A_93] : memref<10112x128xf32, #tpu.memory_space<vmem_shared>> -> memref<632x128xf32, #tpu.memory_space<vmem_shared>>
      tpu.wait_dma2 semaphore(%run_scoped3A_84 : memref<!tpu.dma_semaphore, #tpu.memory_space<semaphore_mem>>) src(%dma_wait3A_94 : memref<632x128xf32, #tpu.memory_space<vmem_shared>>) dst(%dma_wait3A_92 : memref<632x128xf32, #tpu.memory_space<hbm>>)
      tpu.yield
    }) : () -> ()
    return
  }
}

#map = affine_map<(d0, d1) -> (0, 0)>
#map1 = affine_map<(d0, d1) -> (0)>
#map2 = affine_map<(d0, d1) -> (0, 0, 0)>
module attributes {stable_mosaic.version = 14 : i64} {
  func.func @body(%arg0: i32, %arg1: i32, %arg2: memref<10000x128xf32, #tpu.memory_space<hbm>>, %arg3: memref<327680xi32, #tpu.memory_space<hbm>>, %arg4: memref<5120x64xi32, #tpu.memory_space<hbm>>, %arg5: memref<10112x128xf32, #tpu.memory_space<hbm>>, %arg6: memref<2x10112x128xf32, #tpu.memory_space<hbm>>, %arg7: memref<10240xi32, #tpu.memory_space<vmem>>, %arg8: memref<3x16x64xi32, #tpu.memory_space<vmem>>, %arg9: memref<4x64x128xf32, #tpu.memory_space<vmem>>, %arg10: memref<10112x128xf32, #tpu.memory_space<vmem_shared>>, %arg11: memref<4x!tpu.dma_semaphore, #tpu.memory_space<semaphore_mem>>, %arg12: memref<!tpu.dma_semaphore, #tpu.memory_space<semaphore_mem>>) attributes {dimension_semantics = [#tpu.dimension_semantics<core_parallel>, #tpu.dimension_semantics<subcore_parallel>], iteration_bounds = array<i64: 2, 16>, scalar_prefetch = 0 : i64, scratch_operands = 6 : i64, tpu.core_type = #tpu.core_type<sc_vector_subcore>, window_params = [{transform_indices = #map}, {transform_indices = #map1}, {transform_indices = #map}, {transform_indices = #map}, {transform_indices = #map2}]} {
    %mul3A = arith.constant 2 : i32
    %mul3A_0 = arith.muli %arg1, %mul3A : i32
    %add3A = arith.addi %mul3A_0, %arg0 : i32
    %mul3A_1 = arith.constant 160 : i32
    %mul3A_2 = arith.muli %add3A, %mul3A_1 : i32
    %mul3A_3 = arith.constant 10240 : i32
    %mul3A_4 = arith.muli %add3A, %mul3A_3 : i32
    "tpu.region"() ({
      %run_scoped3A_84 = tpu.sem_alloc : memref<!tpu.dma_semaphore, #tpu.memory_space<semaphore_mem>>
      %dma_start3A_85 = tpu.memref_slice %arg3[%mul3A_4] : memref<327680xi32, #tpu.memory_space<hbm>> -> memref<10240xi32, #tpu.memory_space<hbm>>
      %dma_start3A_86 = tpu.memref_slice %arg3[%mul3A_4] : memref<327680xi32, #tpu.memory_space<hbm>> -> memref<10240xi32, #tpu.memory_space<hbm>>
      tpu.enqueue_dma source(%dma_start3A_86 : memref<10240xi32, #tpu.memory_space<hbm>>) target(%arg7 : memref<10240xi32, #tpu.memory_space<vmem>>) target_semaphore(%run_scoped3A_84 : memref<!tpu.dma_semaphore, #tpu.memory_space<semaphore_mem>>)
      %dma_wait3A_87 = tpu.memref_slice %arg3[%mul3A_4] : memref<327680xi32, #tpu.memory_space<hbm>> -> memref<10240xi32, #tpu.memory_space<hbm>>
      %dma_wait3A_88 = tpu.memref_slice %arg3[%mul3A_4] : memref<327680xi32, #tpu.memory_space<hbm>> -> memref<10240xi32, #tpu.memory_space<hbm>>
      tpu.wait_dma2 semaphore(%run_scoped3A_84 : memref<!tpu.dma_semaphore, #tpu.memory_space<semaphore_mem>>) src(%dma_wait3A_88 : memref<10240xi32, #tpu.memory_space<hbm>>) dst(%arg7 : memref<10240xi32, #tpu.memory_space<vmem>>)
      tpu.yield
    }) : () -> ()
    %run_scoped3A = arith.constant 0 : i32
    "tpu.region"() ({
      %run_scoped3A_84 = tpu.sem_alloc : memref<!tpu.dma_semaphore, #tpu.memory_space<semaphore_mem>>
      %dma_start3A_85 = arith.constant 0 : i32
      %dma_start3A_86 = arith.constant 0 : i32
      %dma_start3A_87 = tpu.memref_slice %arg8[%run_scoped3A, %dma_start3A_85, %dma_start3A_86] : memref<3x16x64xi32, #tpu.memory_space<vmem>> -> memref<1x16x64xi32, #tpu.memory_space<vmem>>
      %dma_start3A_88 = tpu.memref_squeeze %dma_start3A_87 : memref<1x16x64xi32, #tpu.memory_space<vmem>> -> memref<16x64xi32, #tpu.memory_space<vmem>>
      %dma_start3A_89 = arith.constant 0 : i32
      %dma_start3A_90 = tpu.memref_slice %arg4[%mul3A_2, %dma_start3A_89] : memref<5120x64xi32, #tpu.memory_space<hbm>> -> memref<16x64xi32, #tpu.memory_space<hbm>>
      %dma_start3A_91 = arith.constant 0 : i32
      %dma_start3A_92 = arith.constant 0 : i32
      %dma_start3A_93 = tpu.memref_slice %arg8[%run_scoped3A, %dma_start3A_91, %dma_start3A_92] : memref<3x16x64xi32, #tpu.memory_space<vmem>> -> memref<1x16x64xi32, #tpu.memory_space<vmem>>
      %dma_start3A_94 = tpu.memref_squeeze %dma_start3A_93 : memref<1x16x64xi32, #tpu.memory_space<vmem>> -> memref<16x64xi32, #tpu.memory_space<vmem>>
      %dma_start3A_95 = arith.constant 0 : i32
      %dma_start3A_96 = tpu.memref_slice %arg4[%mul3A_2, %dma_start3A_95] : memref<5120x64xi32, #tpu.memory_space<hbm>> -> memref<16x64xi32, #tpu.memory_space<hbm>>
      tpu.enqueue_dma source(%dma_start3A_96 : memref<16x64xi32, #tpu.memory_space<hbm>>) target(%dma_start3A_94 : memref<16x64xi32, #tpu.memory_space<vmem>>) target_semaphore(%run_scoped3A_84 : memref<!tpu.dma_semaphore, #tpu.memory_space<semaphore_mem>>)
      %dma_wait3A_97 = arith.constant 0 : i32
      %dma_wait3A_98 = arith.constant 0 : i32
      %dma_wait3A_99 = tpu.memref_slice %arg8[%run_scoped3A, %dma_wait3A_97, %dma_wait3A_98] : memref<3x16x64xi32, #tpu.memory_space<vmem>> -> memref<1x16x64xi32, #tpu.memory_space<vmem>>
      %dma_wait3A_100 = tpu.memref_squeeze %dma_wait3A_99 : memref<1x16x64xi32, #tpu.memory_space<vmem>> -> memref<16x64xi32, #tpu.memory_space<vmem>>
      %dma_wait3A_101 = arith.constant 0 : i32
      %dma_wait3A_102 = tpu.memref_slice %arg4[%mul3A_2, %dma_wait3A_101] : memref<5120x64xi32, #tpu.memory_space<hbm>> -> memref<16x64xi32, #tpu.memory_space<hbm>>
      %dma_wait3A_103 = arith.constant 0 : i32
      %dma_wait3A_104 = arith.constant 0 : i32
      %dma_wait3A_105 = tpu.memref_slice %arg8[%run_scoped3A, %dma_wait3A_103, %dma_wait3A_104] : memref<3x16x64xi32, #tpu.memory_space<vmem>> -> memref<1x16x64xi32, #tpu.memory_space<vmem>>
      %dma_wait3A_106 = tpu.memref_squeeze %dma_wait3A_105 : memref<1x16x64xi32, #tpu.memory_space<vmem>> -> memref<16x64xi32, #tpu.memory_space<vmem>>
      %dma_wait3A_107 = arith.constant 0 : i32
      %dma_wait3A_108 = tpu.memref_slice %arg4[%mul3A_2, %dma_wait3A_107] : memref<5120x64xi32, #tpu.memory_space<hbm>> -> memref<16x64xi32, #tpu.memory_space<hbm>>
      tpu.wait_dma2 semaphore(%run_scoped3A_84 : memref<!tpu.dma_semaphore, #tpu.memory_space<semaphore_mem>>) src(%dma_wait3A_108 : memref<16x64xi32, #tpu.memory_space<hbm>>) dst(%dma_wait3A_106 : memref<16x64xi32, #tpu.memory_space<vmem>>)
      tpu.yield
    }) : () -> ()
    %add3A_5 = arith.constant 16 : i32
    %add3A_6 = arith.addi %mul3A_2, %add3A_5 : i32
    %dma_start3A = arith.constant 1 : i32
    %dma_start3A_7 = arith.constant 0 : i32
    %dma_start3A_8 = arith.constant 0 : i32
    %dma_start3A_9 = tpu.memref_slice %arg8[%dma_start3A, %dma_start3A_7, %dma_start3A_8] : memref<3x16x64xi32, #tpu.memory_space<vmem>> -> memref<1x16x64xi32, #tpu.memory_space<vmem>>
    %dma_start3A_10 = tpu.memref_squeeze %dma_start3A_9 : memref<1x16x64xi32, #tpu.memory_space<vmem>> -> memref<16x64xi32, #tpu.memory_space<vmem>>
    %dma_start3A_11 = arith.constant 0 : i32
    %dma_start3A_12 = tpu.memref_slice %arg4[%add3A_6, %dma_start3A_11] : memref<5120x64xi32, #tpu.memory_space<hbm>> -> memref<16x64xi32, #tpu.memory_space<hbm>>
    %dma_start3A_13 = arith.constant 0 : i32
    %dma_start3A_14 = arith.constant 0 : i32
    %dma_start3A_15 = tpu.memref_slice %arg8[%dma_start3A, %dma_start3A_13, %dma_start3A_14] : memref<3x16x64xi32, #tpu.memory_space<vmem>> -> memref<1x16x64xi32, #tpu.memory_space<vmem>>
    %dma_start3A_16 = tpu.memref_squeeze %dma_start3A_15 : memref<1x16x64xi32, #tpu.memory_space<vmem>> -> memref<16x64xi32, #tpu.memory_space<vmem>>
    %dma_start3A_17 = arith.constant 0 : i32
    %dma_start3A_18 = tpu.memref_slice %arg4[%add3A_6, %dma_start3A_17] : memref<5120x64xi32, #tpu.memory_space<hbm>> -> memref<16x64xi32, #tpu.memory_space<hbm>>
    tpu.enqueue_dma source(%dma_start3A_18 : memref<16x64xi32, #tpu.memory_space<hbm>>) target(%dma_start3A_16 : memref<16x64xi32, #tpu.memory_space<vmem>>) target_semaphore(%arg12 : memref<!tpu.dma_semaphore, #tpu.memory_space<semaphore_mem>>)
    %mul3A_19 = arith.constant 632 : i32
    %mul3A_20 = arith.muli %arg1, %mul3A_19 : i32
    %mul3A_21 = arith.constant 632 : i32
    %mul3A_22 = arith.muli %arg1, %mul3A_21 : i32
    "tpu.region"() ({
      %run_scoped3A_84 = tpu.sem_alloc : memref<!tpu.dma_semaphore, #tpu.memory_space<semaphore_mem>>
      %dma_start3A_85 = arith.constant 0 : i32
      %dma_start3A_86 = tpu.memref_slice %arg10[%mul3A_22, %dma_start3A_85] : memref<10112x128xf32, #tpu.memory_space<vmem_shared>> -> memref<632x128xf32, #tpu.memory_space<vmem_shared>>
      %dma_start3A_87 = arith.constant 0 : i32
      %dma_start3A_88 = tpu.memref_slice %arg5[%mul3A_20, %dma_start3A_87] : memref<10112x128xf32, #tpu.memory_space<hbm>> -> memref<632x128xf32, #tpu.memory_space<hbm>>
      tpu.enqueue_dma source(%dma_start3A_88 : memref<632x128xf32, #tpu.memory_space<hbm>>) target(%dma_start3A_86 : memref<632x128xf32, #tpu.memory_space<vmem_shared>>) target_semaphore(%run_scoped3A_84 : memref<!tpu.dma_semaphore, #tpu.memory_space<semaphore_mem>>)
      %dma_wait3A_89 = arith.constant 0 : i32
      %dma_wait3A_90 = tpu.memref_slice %arg10[%mul3A_22, %dma_wait3A_89] : memref<10112x128xf32, #tpu.memory_space<vmem_shared>> -> memref<632x128xf32, #tpu.memory_space<vmem_shared>>
      %dma_wait3A_91 = arith.constant 0 : i32
      %dma_wait3A_92 = tpu.memref_slice %arg5[%mul3A_20, %dma_wait3A_91] : memref<10112x128xf32, #tpu.memory_space<hbm>> -> memref<632x128xf32, #tpu.memory_space<hbm>>
      tpu.wait_dma2 semaphore(%run_scoped3A_84 : memref<!tpu.dma_semaphore, #tpu.memory_space<semaphore_mem>>) src(%dma_wait3A_92 : memref<632x128xf32, #tpu.memory_space<hbm>>) dst(%dma_wait3A_90 : memref<632x128xf32, #tpu.memory_space<vmem_shared>>)
      tpu.yield
    }) : () -> ()
    %barrier3A = arith.constant 0 : index
    tpu.barrier barrier_id(%barrier3A)
    %dma_start3A_23 = arith.constant 0 : i32
    %dma_start3A_24 = arith.constant 0 : i32
    %dma_start3A_25 = arith.constant 0 : i32
    %dma_start3A_26 = arith.constant 0 : i32
    %dma_start3A_27 = tpu.memref_slice %arg9[%dma_start3A_23, %dma_start3A_25, %dma_start3A_26] : memref<4x64x128xf32, #tpu.memory_space<vmem>> -> memref<1x64x128xf32, #tpu.memory_space<vmem>>
    %dma_start3A_28 = tpu.memref_squeeze %dma_start3A_27 : memref<1x64x128xf32, #tpu.memory_space<vmem>> -> memref<64x128xf32, #tpu.memory_space<vmem>>
    %dma_start3A_29 = arith.constant 0 : i32
    %dma_start3A_30 = tpu.memref_slice %arg7[%dma_start3A_29] : memref<10240xi32, #tpu.memory_space<vmem>> -> memref<64xi32, #tpu.memory_space<vmem>>
    %dma_start3A_31 = arith.constant 0 : i32
    %dma_start3A_32 = arith.constant 0 : i32
    %dma_start3A_33 = tpu.memref_slice %arg2[%dma_start3A_31, %dma_start3A_32] : memref<10000x128xf32, #tpu.memory_space<hbm>> -> memref<10000x128xf32, #tpu.memory_space<hbm>>
    %dma_start3A_34 = tpu.memref_slice %arg11[%dma_start3A_24] : memref<4x!tpu.dma_semaphore, #tpu.memory_space<semaphore_mem>> -> memref<1x!tpu.dma_semaphore, #tpu.memory_space<semaphore_mem>>
    %dma_start3A_35 = tpu.memref_squeeze %dma_start3A_34 : memref<1x!tpu.dma_semaphore, #tpu.memory_space<semaphore_mem>> -> memref<!tpu.dma_semaphore, #tpu.memory_space<semaphore_mem>>
    tpu.enqueue_indirect_dma source(%dma_start3A_33 : memref<10000x128xf32, #tpu.memory_space<hbm>>) target(%dma_start3A_28 : memref<64x128xf32, #tpu.memory_space<vmem>>) offsets(%dma_start3A_30 : memref<64xi32, #tpu.memory_space<vmem>>) semaphore(%dma_start3A_35 : memref<!tpu.dma_semaphore, #tpu.memory_space<semaphore_mem>>)
    %dma_start3A_36 = arith.constant 1 : i32
    %dma_start3A_37 = arith.constant 1 : i32
    %dma_start3A_38 = arith.constant 0 : i32
    %dma_start3A_39 = arith.constant 0 : i32
    %dma_start3A_40 = tpu.memref_slice %arg9[%dma_start3A_36, %dma_start3A_38, %dma_start3A_39] : memref<4x64x128xf32, #tpu.memory_space<vmem>> -> memref<1x64x128xf32, #tpu.memory_space<vmem>>
    %dma_start3A_41 = tpu.memref_squeeze %dma_start3A_40 : memref<1x64x128xf32, #tpu.memory_space<vmem>> -> memref<64x128xf32, #tpu.memory_space<vmem>>
    %dma_start3A_42 = arith.constant 64 : i32
    %dma_start3A_43 = tpu.memref_slice %arg7[%dma_start3A_42] : memref<10240xi32, #tpu.memory_space<vmem>> -> memref<64xi32, #tpu.memory_space<vmem>>
    %dma_start3A_44 = arith.constant 0 : i32
    %dma_start3A_45 = arith.constant 0 : i32
    %dma_start3A_46 = tpu.memref_slice %arg2[%dma_start3A_44, %dma_start3A_45] : memref<10000x128xf32, #tpu.memory_space<hbm>> -> memref<10000x128xf32, #tpu.memory_space<hbm>>
    %dma_start3A_47 = tpu.memref_slice %arg11[%dma_start3A_37] : memref<4x!tpu.dma_semaphore, #tpu.memory_space<semaphore_mem>> -> memref<1x!tpu.dma_semaphore, #tpu.memory_space<semaphore_mem>>
    %dma_start3A_48 = tpu.memref_squeeze %dma_start3A_47 : memref<1x!tpu.dma_semaphore, #tpu.memory_space<semaphore_mem>> -> memref<!tpu.dma_semaphore, #tpu.memory_space<semaphore_mem>>
    tpu.enqueue_indirect_dma source(%dma_start3A_46 : memref<10000x128xf32, #tpu.memory_space<hbm>>) target(%dma_start3A_41 : memref<64x128xf32, #tpu.memory_space<vmem>>) offsets(%dma_start3A_43 : memref<64xi32, #tpu.memory_space<vmem>>) semaphore(%dma_start3A_48 : memref<!tpu.dma_semaphore, #tpu.memory_space<semaphore_mem>>)
    %scan3A = arith.constant 0 : i32
    %scan3A_49 = arith.constant 0 : i32
    %scan3A_50 = arith.constant 40 : i32
    %scan3A_51 = arith.addi %scan3A_49, %scan3A_50 : i32
    %scan3A_52 = arith.constant 1 : i32
    scf.for %scan3A_84 = %scan3A_49 to %scan3A_51 step %scan3A_52  : i32 {
      %mul3A_85 = arith.constant 4 : i32
      %mul3A_86 = arith.muli %scan3A_84, %mul3A_85 : i32
      %rem3A = arith.constant 4 : i32
      %rem3A_87 = arith.remsi %scan3A_84, %rem3A : i32
      %eq3A = arith.constant 0 : i32
      %eq3A_88 = arith.cmpi eq, %rem3A_87, %eq3A : i32
      %gt3A = arith.constant 0 : i32
      %gt3A_89 = arith.cmpi sgt, %scan3A_84, %gt3A : i32
      %and3A = arith.andi %eq3A_88, %gt3A_89 : i1
      %convert_element_type3A = arith.extui %and3A : i1 to i32
      %cond3A = arith.constant 0 : i32
      %cond3A_90 = arith.cmpi ne, %convert_element_type3A, %cond3A : i32
      scf.if %cond3A_90 {
        %dma_wait3A_291 = arith.constant 0 : i32
        %dma_wait3A_292 = arith.constant 0 : i32
        %dma_wait3A_293 = arith.constant 0 : i32
        %dma_wait3A_294 = tpu.memref_slice %arg8[%dma_wait3A_291, %dma_wait3A_292, %dma_wait3A_293] : memref<3x16x64xi32, #tpu.memory_space<vmem>> -> memref<1x16x64xi32, #tpu.memory_space<vmem>>
        %dma_wait3A_295 = tpu.memref_squeeze %dma_wait3A_294 : memref<1x16x64xi32, #tpu.memory_space<vmem>> -> memref<16x64xi32, #tpu.memory_space<vmem>>
        %dma_wait3A_296 = arith.constant 0 : i32
        %dma_wait3A_297 = arith.constant 0 : i32
        %dma_wait3A_298 = tpu.memref_slice %arg4[%dma_wait3A_296, %dma_wait3A_297] : memref<5120x64xi32, #tpu.memory_space<hbm>> -> memref<16x64xi32, #tpu.memory_space<hbm>>
        %dma_wait3A_299 = arith.constant 0 : i32
        %dma_wait3A_300 = arith.constant 0 : i32
        %dma_wait3A_301 = tpu.memref_slice %arg8[%dma_wait3A_291, %dma_wait3A_299, %dma_wait3A_300] : memref<3x16x64xi32, #tpu.memory_space<vmem>> -> memref<1x16x64xi32, #tpu.memory_space<vmem>>
        %dma_wait3A_302 = tpu.memref_squeeze %dma_wait3A_301 : memref<1x16x64xi32, #tpu.memory_space<vmem>> -> memref<16x64xi32, #tpu.memory_space<vmem>>
        %dma_wait3A_303 = arith.constant 0 : i32
        %dma_wait3A_304 = arith.constant 0 : i32
        %dma_wait3A_305 = tpu.memref_slice %arg4[%dma_wait3A_303, %dma_wait3A_304] : memref<5120x64xi32, #tpu.memory_space<hbm>> -> memref<16x64xi32, #tpu.memory_space<hbm>>
        tpu.wait_dma2 semaphore(%arg12 : memref<!tpu.dma_semaphore, #tpu.memory_space<semaphore_mem>>) src(%dma_wait3A_305 : memref<16x64xi32, #tpu.memory_space<hbm>>) dst(%dma_wait3A_302 : memref<16x64xi32, #tpu.memory_space<vmem>>)
      } else {
      }
      %rem3A_91 = arith.constant 4 : i32
      %rem3A_92 = arith.remsi %scan3A_84, %rem3A_91 : i32
      %eq3A_93 = arith.constant 0 : i32
      %eq3A_94 = arith.cmpi eq, %rem3A_92, %eq3A_93 : i32
      %gt3A_95 = arith.constant 0 : i32
      %gt3A_96 = arith.cmpi sgt, %scan3A_84, %gt3A_95 : i32
      %and3A_97 = arith.andi %eq3A_94, %gt3A_96 : i1
      %add3A_98 = arith.constant 16 : i32
      %add3A_99 = arith.addi %mul3A_86, %add3A_98 : i32
      %lt3A = arith.constant 160 : i32
      %lt3A_100 = arith.cmpi slt, %add3A_99, %lt3A : i32
      %and3A_101 = arith.andi %and3A_97, %lt3A_100 : i1
      %convert_element_type3A_102 = arith.extui %and3A_101 : i1 to i32
      %cond3A_103 = arith.constant 0 : i32
      %cond3A_104 = arith.cmpi ne, %convert_element_type3A_102, %cond3A_103 : i32
      scf.if %cond3A_104 {
        %div3A_291 = arith.constant 16 : i32
        %div3A_292 = arith.divsi %mul3A_86, %div3A_291 : i32
        %add3A_293 = arith.addi %mul3A_2, %mul3A_86 : i32
        %add3A_294 = arith.constant 16 : i32
        %add3A_295 = arith.addi %add3A_293, %add3A_294 : i32
        %multiple_of3A = tpu.assume_multiple %add3A_295, 16 : i32
        %add3A_296 = arith.constant 1 : i32
        %add3A_297 = arith.addi %div3A_292, %add3A_296 : i32
        %rem3A_298 = arith.constant 3 : i32
        %rem3A_299 = arith.remsi %add3A_297, %rem3A_298 : i32
        %dma_start3A_300 = arith.constant 0 : i32
        %dma_start3A_301 = arith.constant 0 : i32
        %dma_start3A_302 = tpu.memref_slice %arg8[%rem3A_299, %dma_start3A_300, %dma_start3A_301] : memref<3x16x64xi32, #tpu.memory_space<vmem>> -> memref<1x16x64xi32, #tpu.memory_space<vmem>>
        %dma_start3A_303 = tpu.memref_squeeze %dma_start3A_302 : memref<1x16x64xi32, #tpu.memory_space<vmem>> -> memref<16x64xi32, #tpu.memory_space<vmem>>
        %dma_start3A_304 = arith.constant 0 : i32
        %dma_start3A_305 = tpu.memref_slice %arg4[%multiple_of3A, %dma_start3A_304] : memref<5120x64xi32, #tpu.memory_space<hbm>> -> memref<16x64xi32, #tpu.memory_space<hbm>>
        %dma_start3A_306 = arith.constant 0 : i32
        %dma_start3A_307 = arith.constant 0 : i32
        %dma_start3A_308 = tpu.memref_slice %arg8[%rem3A_299, %dma_start3A_306, %dma_start3A_307] : memref<3x16x64xi32, #tpu.memory_space<vmem>> -> memref<1x16x64xi32, #tpu.memory_space<vmem>>
        %dma_start3A_309 = tpu.memref_squeeze %dma_start3A_308 : memref<1x16x64xi32, #tpu.memory_space<vmem>> -> memref<16x64xi32, #tpu.memory_space<vmem>>
        %dma_start3A_310 = arith.constant 0 : i32
        %dma_start3A_311 = tpu.memref_slice %arg4[%multiple_of3A, %dma_start3A_310] : memref<5120x64xi32, #tpu.memory_space<hbm>> -> memref<16x64xi32, #tpu.memory_space<hbm>>
        tpu.enqueue_dma source(%dma_start3A_311 : memref<16x64xi32, #tpu.memory_space<hbm>>) target(%dma_start3A_309 : memref<16x64xi32, #tpu.memory_space<vmem>>) target_semaphore(%arg12 : memref<!tpu.dma_semaphore, #tpu.memory_space<semaphore_mem>>)
      } else {
      }
      %add3A_105 = arith.constant 0 : i32
      %add3A_106 = arith.addi %mul3A_86, %add3A_105 : i32
      %div3A = arith.constant 16 : i32
      %div3A_107 = arith.divsi %add3A_106, %div3A : i32
      %rem3A_108 = arith.constant 3 : i32
      %rem3A_109 = arith.remsi %div3A_107, %rem3A_108 : i32
      %rem3A_110 = arith.constant 16 : i32
      %rem3A_111 = arith.remsi %add3A_106, %rem3A_110 : i32
      %dma_wait3A_112 = arith.constant 0 : i32
      %dma_wait3A_113 = arith.constant 0 : i32
      %dma_wait3A_114 = arith.constant 0 : i32
      %dma_wait3A_115 = arith.constant 0 : i32
      %dma_wait3A_116 = tpu.memref_slice %arg9[%dma_wait3A_112, %dma_wait3A_114, %dma_wait3A_115] : memref<4x64x128xf32, #tpu.memory_space<vmem>> -> memref<1x64x128xf32, #tpu.memory_space<vmem>>
      %dma_wait3A_117 = tpu.memref_squeeze %dma_wait3A_116 : memref<1x64x128xf32, #tpu.memory_space<vmem>> -> memref<64x128xf32, #tpu.memory_space<vmem>>
      %dma_wait3A_118 = arith.constant 0 : i32
      %dma_wait3A_119 = tpu.memref_slice %arg7[%dma_wait3A_118] : memref<10240xi32, #tpu.memory_space<vmem>> -> memref<64xi32, #tpu.memory_space<vmem>>
      %dma_wait3A_120 = arith.constant 0 : i32
      %dma_wait3A_121 = arith.constant 0 : i32
      %dma_wait3A_122 = tpu.memref_slice %arg2[%dma_wait3A_120, %dma_wait3A_121] : memref<10000x128xf32, #tpu.memory_space<hbm>> -> memref<10000x128xf32, #tpu.memory_space<hbm>>
      %dma_wait3A_123 = tpu.memref_slice %arg11[%dma_wait3A_113] : memref<4x!tpu.dma_semaphore, #tpu.memory_space<semaphore_mem>> -> memref<1x!tpu.dma_semaphore, #tpu.memory_space<semaphore_mem>>
      %dma_wait3A_124 = tpu.memref_squeeze %dma_wait3A_123 : memref<1x!tpu.dma_semaphore, #tpu.memory_space<semaphore_mem>> -> memref<!tpu.dma_semaphore, #tpu.memory_space<semaphore_mem>>
      tpu.wait_indirect_dma semaphore(%dma_wait3A_124 : memref<!tpu.dma_semaphore, #tpu.memory_space<semaphore_mem>>) src(%dma_wait3A_122 : memref<10000x128xf32, #tpu.memory_space<hbm>>) dst(%dma_wait3A_117 : memref<64x128xf32, #tpu.memory_space<vmem>>)
      %dma_start3A_125 = arith.constant 0 : i32
      %dma_start3A_126 = arith.constant 0 : i32
      %dma_start3A_127 = arith.constant 0 : i32
      %dma_start3A_128 = arith.constant 0 : i32
      %dma_start3A_129 = tpu.memref_slice %arg9[%dma_start3A_125, %dma_start3A_127, %dma_start3A_128] : memref<4x64x128xf32, #tpu.memory_space<vmem>> -> memref<1x64x128xf32, #tpu.memory_space<vmem>>
      %dma_start3A_130 = tpu.memref_squeeze %dma_start3A_129 : memref<1x64x128xf32, #tpu.memory_space<vmem>> -> memref<64x128xf32, #tpu.memory_space<vmem>>
      %dma_start3A_131 = arith.constant 0 : i32
      %dma_start3A_132 = tpu.memref_slice %arg8[%rem3A_109, %rem3A_111, %dma_start3A_131] : memref<3x16x64xi32, #tpu.memory_space<vmem>> -> memref<1x1x64xi32, #tpu.memory_space<vmem>>
      %dma_start3A_133 = tpu.memref_squeeze %dma_start3A_132 : memref<1x1x64xi32, #tpu.memory_space<vmem>> -> memref<64xi32, #tpu.memory_space<vmem>>
      %dma_start3A_134 = arith.constant 0 : i32
      %dma_start3A_135 = arith.constant 0 : i32
      %dma_start3A_136 = tpu.memref_slice %arg10[%dma_start3A_134, %dma_start3A_135] : memref<10112x128xf32, #tpu.memory_space<vmem_shared>> -> memref<10112x128xf32, #tpu.memory_space<vmem_shared>>
      %dma_start3A_137 = tpu.memref_slice %arg11[%dma_start3A_126] : memref<4x!tpu.dma_semaphore, #tpu.memory_space<semaphore_mem>> -> memref<1x!tpu.dma_semaphore, #tpu.memory_space<semaphore_mem>>
      %dma_start3A_138 = tpu.memref_squeeze %dma_start3A_137 : memref<1x!tpu.dma_semaphore, #tpu.memory_space<semaphore_mem>> -> memref<!tpu.dma_semaphore, #tpu.memory_space<semaphore_mem>>
      tpu.enqueue_indirect_dma source(%dma_start3A_130 : memref<64x128xf32, #tpu.memory_space<vmem>>) target(%dma_start3A_136 : memref<10112x128xf32, #tpu.memory_space<vmem_shared>>) offsets(%dma_start3A_133 : memref<64xi32, #tpu.memory_space<vmem>>) semaphore(%dma_start3A_138 : memref<!tpu.dma_semaphore, #tpu.memory_space<semaphore_mem>>) {add = true}
      %ge3A = arith.constant 2 : i32
      %ge3A_139 = arith.cmpi sge, %add3A_106, %ge3A : i32
      %convert_element_type3A_140 = arith.extui %ge3A_139 : i1 to i32
      %cond3A_141 = arith.constant 0 : i32
      %cond3A_142 = arith.cmpi ne, %convert_element_type3A_140, %cond3A_141 : i32
      scf.if %cond3A_142 {
        %dma_wait3A_291 = arith.constant 2 : i32
        %dma_wait3A_292 = arith.constant 2 : i32
        %dma_wait3A_293 = arith.constant 0 : i32
        %dma_wait3A_294 = arith.constant 0 : i32
        %dma_wait3A_295 = tpu.memref_slice %arg9[%dma_wait3A_291, %dma_wait3A_293, %dma_wait3A_294] : memref<4x64x128xf32, #tpu.memory_space<vmem>> -> memref<1x64x128xf32, #tpu.memory_space<vmem>>
        %dma_wait3A_296 = tpu.memref_squeeze %dma_wait3A_295 : memref<1x64x128xf32, #tpu.memory_space<vmem>> -> memref<64x128xf32, #tpu.memory_space<vmem>>
        %dma_wait3A_297 = arith.constant 0 : i32
        %dma_wait3A_298 = tpu.memref_slice %arg8[%rem3A_109, %rem3A_111, %dma_wait3A_297] : memref<3x16x64xi32, #tpu.memory_space<vmem>> -> memref<1x1x64xi32, #tpu.memory_space<vmem>>
        %dma_wait3A_299 = tpu.memref_squeeze %dma_wait3A_298 : memref<1x1x64xi32, #tpu.memory_space<vmem>> -> memref<64xi32, #tpu.memory_space<vmem>>
        %dma_wait3A_300 = arith.constant 0 : i32
        %dma_wait3A_301 = arith.constant 0 : i32
        %dma_wait3A_302 = tpu.memref_slice %arg10[%dma_wait3A_300, %dma_wait3A_301] : memref<10112x128xf32, #tpu.memory_space<vmem_shared>> -> memref<10112x128xf32, #tpu.memory_space<vmem_shared>>
        %dma_wait3A_303 = tpu.memref_slice %arg11[%dma_wait3A_292] : memref<4x!tpu.dma_semaphore, #tpu.memory_space<semaphore_mem>> -> memref<1x!tpu.dma_semaphore, #tpu.memory_space<semaphore_mem>>
        %dma_wait3A_304 = tpu.memref_squeeze %dma_wait3A_303 : memref<1x!tpu.dma_semaphore, #tpu.memory_space<semaphore_mem>> -> memref<!tpu.dma_semaphore, #tpu.memory_space<semaphore_mem>>
        tpu.wait_indirect_dma semaphore(%dma_wait3A_304 : memref<!tpu.dma_semaphore, #tpu.memory_space<semaphore_mem>>) src(%dma_wait3A_296 : memref<64x128xf32, #tpu.memory_space<vmem>>) dst(%dma_wait3A_302 : memref<10112x128xf32, #tpu.memory_space<vmem_shared>>)
      } else {
      }
      %add3A_143 = arith.constant 2 : i32
      %add3A_144 = arith.addi %add3A_106, %add3A_143 : i32
      %lt3A_145 = arith.constant 160 : i32
      %lt3A_146 = arith.cmpi slt, %add3A_144, %lt3A_145 : i32
      %convert_element_type3A_147 = arith.extui %lt3A_146 : i1 to i32
      %cond3A_148 = arith.constant 0 : i32
      %cond3A_149 = arith.cmpi ne, %convert_element_type3A_147, %cond3A_148 : i32
      scf.if %cond3A_149 {
        %add3A_291 = arith.constant 2 : i32
        %add3A_292 = arith.addi %add3A_106, %add3A_291 : i32
        %mul3A_293 = arith.constant 64 : i32
        %mul3A_294 = arith.muli %add3A_292, %mul3A_293 : i32
        %dma_start3A_295 = arith.constant 2 : i32
        %dma_start3A_296 = arith.constant 2 : i32
        %dma_start3A_297 = arith.constant 0 : i32
        %dma_start3A_298 = arith.constant 0 : i32
        %dma_start3A_299 = tpu.memref_slice %arg9[%dma_start3A_295, %dma_start3A_297, %dma_start3A_298] : memref<4x64x128xf32, #tpu.memory_space<vmem>> -> memref<1x64x128xf32, #tpu.memory_space<vmem>>
        %dma_start3A_300 = tpu.memref_squeeze %dma_start3A_299 : memref<1x64x128xf32, #tpu.memory_space<vmem>> -> memref<64x128xf32, #tpu.memory_space<vmem>>
        %dma_start3A_301 = tpu.memref_slice %arg7[%mul3A_294] : memref<10240xi32, #tpu.memory_space<vmem>> -> memref<64xi32, #tpu.memory_space<vmem>>
        %dma_start3A_302 = arith.constant 0 : i32
        %dma_start3A_303 = arith.constant 0 : i32
        %dma_start3A_304 = tpu.memref_slice %arg2[%dma_start3A_302, %dma_start3A_303] : memref<10000x128xf32, #tpu.memory_space<hbm>> -> memref<10000x128xf32, #tpu.memory_space<hbm>>
        %dma_start3A_305 = tpu.memref_slice %arg11[%dma_start3A_296] : memref<4x!tpu.dma_semaphore, #tpu.memory_space<semaphore_mem>> -> memref<1x!tpu.dma_semaphore, #tpu.memory_space<semaphore_mem>>
        %dma_start3A_306 = tpu.memref_squeeze %dma_start3A_305 : memref<1x!tpu.dma_semaphore, #tpu.memory_space<semaphore_mem>> -> memref<!tpu.dma_semaphore, #tpu.memory_space<semaphore_mem>>
        tpu.enqueue_indirect_dma source(%dma_start3A_304 : memref<10000x128xf32, #tpu.memory_space<hbm>>) target(%dma_start3A_300 : memref<64x128xf32, #tpu.memory_space<vmem>>) offsets(%dma_start3A_301 : memref<64xi32, #tpu.memory_space<vmem>>) semaphore(%dma_start3A_306 : memref<!tpu.dma_semaphore, #tpu.memory_space<semaphore_mem>>)
      } else {
      }
      %add3A_150 = arith.constant 1 : i32
      %add3A_151 = arith.addi %mul3A_86, %add3A_150 : i32
      %div3A_152 = arith.constant 16 : i32
      %div3A_153 = arith.divsi %add3A_151, %div3A_152 : i32
      %rem3A_154 = arith.constant 3 : i32
      %rem3A_155 = arith.remsi %div3A_153, %rem3A_154 : i32
      %rem3A_156 = arith.constant 16 : i32
      %rem3A_157 = arith.remsi %add3A_151, %rem3A_156 : i32
      %dma_wait3A_158 = arith.constant 1 : i32
      %dma_wait3A_159 = arith.constant 1 : i32
      %dma_wait3A_160 = arith.constant 0 : i32
      %dma_wait3A_161 = arith.constant 0 : i32
      %dma_wait3A_162 = tpu.memref_slice %arg9[%dma_wait3A_158, %dma_wait3A_160, %dma_wait3A_161] : memref<4x64x128xf32, #tpu.memory_space<vmem>> -> memref<1x64x128xf32, #tpu.memory_space<vmem>>
      %dma_wait3A_163 = tpu.memref_squeeze %dma_wait3A_162 : memref<1x64x128xf32, #tpu.memory_space<vmem>> -> memref<64x128xf32, #tpu.memory_space<vmem>>
      %dma_wait3A_164 = arith.constant 0 : i32
      %dma_wait3A_165 = tpu.memref_slice %arg7[%dma_wait3A_164] : memref<10240xi32, #tpu.memory_space<vmem>> -> memref<64xi32, #tpu.memory_space<vmem>>
      %dma_wait3A_166 = arith.constant 0 : i32
      %dma_wait3A_167 = arith.constant 0 : i32
      %dma_wait3A_168 = tpu.memref_slice %arg2[%dma_wait3A_166, %dma_wait3A_167] : memref<10000x128xf32, #tpu.memory_space<hbm>> -> memref<10000x128xf32, #tpu.memory_space<hbm>>
      %dma_wait3A_169 = tpu.memref_slice %arg11[%dma_wait3A_159] : memref<4x!tpu.dma_semaphore, #tpu.memory_space<semaphore_mem>> -> memref<1x!tpu.dma_semaphore, #tpu.memory_space<semaphore_mem>>
      %dma_wait3A_170 = tpu.memref_squeeze %dma_wait3A_169 : memref<1x!tpu.dma_semaphore, #tpu.memory_space<semaphore_mem>> -> memref<!tpu.dma_semaphore, #tpu.memory_space<semaphore_mem>>
      tpu.wait_indirect_dma semaphore(%dma_wait3A_170 : memref<!tpu.dma_semaphore, #tpu.memory_space<semaphore_mem>>) src(%dma_wait3A_168 : memref<10000x128xf32, #tpu.memory_space<hbm>>) dst(%dma_wait3A_163 : memref<64x128xf32, #tpu.memory_space<vmem>>)
      %dma_start3A_171 = arith.constant 1 : i32
      %dma_start3A_172 = arith.constant 1 : i32
      %dma_start3A_173 = arith.constant 0 : i32
      %dma_start3A_174 = arith.constant 0 : i32
      %dma_start3A_175 = tpu.memref_slice %arg9[%dma_start3A_171, %dma_start3A_173, %dma_start3A_174] : memref<4x64x128xf32, #tpu.memory_space<vmem>> -> memref<1x64x128xf32, #tpu.memory_space<vmem>>
      %dma_start3A_176 = tpu.memref_squeeze %dma_start3A_175 : memref<1x64x128xf32, #tpu.memory_space<vmem>> -> memref<64x128xf32, #tpu.memory_space<vmem>>
      %dma_start3A_177 = arith.constant 0 : i32
      %dma_start3A_178 = tpu.memref_slice %arg8[%rem3A_155, %rem3A_157, %dma_start3A_177] : memref<3x16x64xi32, #tpu.memory_space<vmem>> -> memref<1x1x64xi32, #tpu.memory_space<vmem>>
      %dma_start3A_179 = tpu.memref_squeeze %dma_start3A_178 : memref<1x1x64xi32, #tpu.memory_space<vmem>> -> memref<64xi32, #tpu.memory_space<vmem>>
      %dma_start3A_180 = arith.constant 0 : i32
      %dma_start3A_181 = arith.constant 0 : i32
      %dma_start3A_182 = tpu.memref_slice %arg10[%dma_start3A_180, %dma_start3A_181] : memref<10112x128xf32, #tpu.memory_space<vmem_shared>> -> memref<10112x128xf32, #tpu.memory_space<vmem_shared>>
      %dma_start3A_183 = tpu.memref_slice %arg11[%dma_start3A_172] : memref<4x!tpu.dma_semaphore, #tpu.memory_space<semaphore_mem>> -> memref<1x!tpu.dma_semaphore, #tpu.memory_space<semaphore_mem>>
      %dma_start3A_184 = tpu.memref_squeeze %dma_start3A_183 : memref<1x!tpu.dma_semaphore, #tpu.memory_space<semaphore_mem>> -> memref<!tpu.dma_semaphore, #tpu.memory_space<semaphore_mem>>
      tpu.enqueue_indirect_dma source(%dma_start3A_176 : memref<64x128xf32, #tpu.memory_space<vmem>>) target(%dma_start3A_182 : memref<10112x128xf32, #tpu.memory_space<vmem_shared>>) offsets(%dma_start3A_179 : memref<64xi32, #tpu.memory_space<vmem>>) semaphore(%dma_start3A_184 : memref<!tpu.dma_semaphore, #tpu.memory_space<semaphore_mem>>) {add = true}
      %ge3A_185 = arith.constant 2 : i32
      %ge3A_186 = arith.cmpi sge, %add3A_151, %ge3A_185 : i32
      %convert_element_type3A_187 = arith.extui %ge3A_186 : i1 to i32
      %cond3A_188 = arith.constant 0 : i32
      %cond3A_189 = arith.cmpi ne, %convert_element_type3A_187, %cond3A_188 : i32
      scf.if %cond3A_189 {
        %dma_wait3A_291 = arith.constant 3 : i32
        %dma_wait3A_292 = arith.constant 3 : i32
        %dma_wait3A_293 = arith.constant 0 : i32
        %dma_wait3A_294 = arith.constant 0 : i32
        %dma_wait3A_295 = tpu.memref_slice %arg9[%dma_wait3A_291, %dma_wait3A_293, %dma_wait3A_294] : memref<4x64x128xf32, #tpu.memory_space<vmem>> -> memref<1x64x128xf32, #tpu.memory_space<vmem>>
        %dma_wait3A_296 = tpu.memref_squeeze %dma_wait3A_295 : memref<1x64x128xf32, #tpu.memory_space<vmem>> -> memref<64x128xf32, #tpu.memory_space<vmem>>
        %dma_wait3A_297 = arith.constant 0 : i32
        %dma_wait3A_298 = tpu.memref_slice %arg8[%rem3A_155, %rem3A_157, %dma_wait3A_297] : memref<3x16x64xi32, #tpu.memory_space<vmem>> -> memref<1x1x64xi32, #tpu.memory_space<vmem>>
        %dma_wait3A_299 = tpu.memref_squeeze %dma_wait3A_298 : memref<1x1x64xi32, #tpu.memory_space<vmem>> -> memref<64xi32, #tpu.memory_space<vmem>>
        %dma_wait3A_300 = arith.constant 0 : i32
        %dma_wait3A_301 = arith.constant 0 : i32
        %dma_wait3A_302 = tpu.memref_slice %arg10[%dma_wait3A_300, %dma_wait3A_301] : memref<10112x128xf32, #tpu.memory_space<vmem_shared>> -> memref<10112x128xf32, #tpu.memory_space<vmem_shared>>
        %dma_wait3A_303 = tpu.memref_slice %arg11[%dma_wait3A_292] : memref<4x!tpu.dma_semaphore, #tpu.memory_space<semaphore_mem>> -> memref<1x!tpu.dma_semaphore, #tpu.memory_space<semaphore_mem>>
        %dma_wait3A_304 = tpu.memref_squeeze %dma_wait3A_303 : memref<1x!tpu.dma_semaphore, #tpu.memory_space<semaphore_mem>> -> memref<!tpu.dma_semaphore, #tpu.memory_space<semaphore_mem>>
        tpu.wait_indirect_dma semaphore(%dma_wait3A_304 : memref<!tpu.dma_semaphore, #tpu.memory_space<semaphore_mem>>) src(%dma_wait3A_296 : memref<64x128xf32, #tpu.memory_space<vmem>>) dst(%dma_wait3A_302 : memref<10112x128xf32, #tpu.memory_space<vmem_shared>>)
      } else {
      }
      %add3A_190 = arith.constant 2 : i32
      %add3A_191 = arith.addi %add3A_151, %add3A_190 : i32
      %lt3A_192 = arith.constant 160 : i32
      %lt3A_193 = arith.cmpi slt, %add3A_191, %lt3A_192 : i32
      %convert_element_type3A_194 = arith.extui %lt3A_193 : i1 to i32
      %cond3A_195 = arith.constant 0 : i32
      %cond3A_196 = arith.cmpi ne, %convert_element_type3A_194, %cond3A_195 : i32
      scf.if %cond3A_196 {
        %add3A_291 = arith.constant 2 : i32
        %add3A_292 = arith.addi %add3A_151, %add3A_291 : i32
        %mul3A_293 = arith.constant 64 : i32
        %mul3A_294 = arith.muli %add3A_292, %mul3A_293 : i32
        %dma_start3A_295 = arith.constant 3 : i32
        %dma_start3A_296 = arith.constant 3 : i32
        %dma_start3A_297 = arith.constant 0 : i32
        %dma_start3A_298 = arith.constant 0 : i32
        %dma_start3A_299 = tpu.memref_slice %arg9[%dma_start3A_295, %dma_start3A_297, %dma_start3A_298] : memref<4x64x128xf32, #tpu.memory_space<vmem>> -> memref<1x64x128xf32, #tpu.memory_space<vmem>>
        %dma_start3A_300 = tpu.memref_squeeze %dma_start3A_299 : memref<1x64x128xf32, #tpu.memory_space<vmem>> -> memref<64x128xf32, #tpu.memory_space<vmem>>
        %dma_start3A_301 = tpu.memref_slice %arg7[%mul3A_294] : memref<10240xi32, #tpu.memory_space<vmem>> -> memref<64xi32, #tpu.memory_space<vmem>>
        %dma_start3A_302 = arith.constant 0 : i32
        %dma_start3A_303 = arith.constant 0 : i32
        %dma_start3A_304 = tpu.memref_slice %arg2[%dma_start3A_302, %dma_start3A_303] : memref<10000x128xf32, #tpu.memory_space<hbm>> -> memref<10000x128xf32, #tpu.memory_space<hbm>>
        %dma_start3A_305 = tpu.memref_slice %arg11[%dma_start3A_296] : memref<4x!tpu.dma_semaphore, #tpu.memory_space<semaphore_mem>> -> memref<1x!tpu.dma_semaphore, #tpu.memory_space<semaphore_mem>>
        %dma_start3A_306 = tpu.memref_squeeze %dma_start3A_305 : memref<1x!tpu.dma_semaphore, #tpu.memory_space<semaphore_mem>> -> memref<!tpu.dma_semaphore, #tpu.memory_space<semaphore_mem>>
        tpu.enqueue_indirect_dma source(%dma_start3A_304 : memref<10000x128xf32, #tpu.memory_space<hbm>>) target(%dma_start3A_300 : memref<64x128xf32, #tpu.memory_space<vmem>>) offsets(%dma_start3A_301 : memref<64xi32, #tpu.memory_space<vmem>>) semaphore(%dma_start3A_306 : memref<!tpu.dma_semaphore, #tpu.memory_space<semaphore_mem>>)
      } else {
      }
      %add3A_197 = arith.constant 2 : i32
      %add3A_198 = arith.addi %mul3A_86, %add3A_197 : i32
      %div3A_199 = arith.constant 16 : i32
      %div3A_200 = arith.divsi %add3A_198, %div3A_199 : i32
      %rem3A_201 = arith.constant 3 : i32
      %rem3A_202 = arith.remsi %div3A_200, %rem3A_201 : i32
      %rem3A_203 = arith.constant 16 : i32
      %rem3A_204 = arith.remsi %add3A_198, %rem3A_203 : i32
      %dma_wait3A_205 = arith.constant 2 : i32
      %dma_wait3A_206 = arith.constant 2 : i32
      %dma_wait3A_207 = arith.constant 0 : i32
      %dma_wait3A_208 = arith.constant 0 : i32
      %dma_wait3A_209 = tpu.memref_slice %arg9[%dma_wait3A_205, %dma_wait3A_207, %dma_wait3A_208] : memref<4x64x128xf32, #tpu.memory_space<vmem>> -> memref<1x64x128xf32, #tpu.memory_space<vmem>>
      %dma_wait3A_210 = tpu.memref_squeeze %dma_wait3A_209 : memref<1x64x128xf32, #tpu.memory_space<vmem>> -> memref<64x128xf32, #tpu.memory_space<vmem>>
      %dma_wait3A_211 = arith.constant 0 : i32
      %dma_wait3A_212 = tpu.memref_slice %arg7[%dma_wait3A_211] : memref<10240xi32, #tpu.memory_space<vmem>> -> memref<64xi32, #tpu.memory_space<vmem>>
      %dma_wait3A_213 = arith.constant 0 : i32
      %dma_wait3A_214 = arith.constant 0 : i32
      %dma_wait3A_215 = tpu.memref_slice %arg2[%dma_wait3A_213, %dma_wait3A_214] : memref<10000x128xf32, #tpu.memory_space<hbm>> -> memref<10000x128xf32, #tpu.memory_space<hbm>>
      %dma_wait3A_216 = tpu.memref_slice %arg11[%dma_wait3A_206] : memref<4x!tpu.dma_semaphore, #tpu.memory_space<semaphore_mem>> -> memref<1x!tpu.dma_semaphore, #tpu.memory_space<semaphore_mem>>
      %dma_wait3A_217 = tpu.memref_squeeze %dma_wait3A_216 : memref<1x!tpu.dma_semaphore, #tpu.memory_space<semaphore_mem>> -> memref<!tpu.dma_semaphore, #tpu.memory_space<semaphore_mem>>
      tpu.wait_indirect_dma semaphore(%dma_wait3A_217 : memref<!tpu.dma_semaphore, #tpu.memory_space<semaphore_mem>>) src(%dma_wait3A_215 : memref<10000x128xf32, #tpu.memory_space<hbm>>) dst(%dma_wait3A_210 : memref<64x128xf32, #tpu.memory_space<vmem>>)
      %dma_start3A_218 = arith.constant 2 : i32
      %dma_start3A_219 = arith.constant 2 : i32
      %dma_start3A_220 = arith.constant 0 : i32
      %dma_start3A_221 = arith.constant 0 : i32
      %dma_start3A_222 = tpu.memref_slice %arg9[%dma_start3A_218, %dma_start3A_220, %dma_start3A_221] : memref<4x64x128xf32, #tpu.memory_space<vmem>> -> memref<1x64x128xf32, #tpu.memory_space<vmem>>
      %dma_start3A_223 = tpu.memref_squeeze %dma_start3A_222 : memref<1x64x128xf32, #tpu.memory_space<vmem>> -> memref<64x128xf32, #tpu.memory_space<vmem>>
      %dma_start3A_224 = arith.constant 0 : i32
      %dma_start3A_225 = tpu.memref_slice %arg8[%rem3A_202, %rem3A_204, %dma_start3A_224] : memref<3x16x64xi32, #tpu.memory_space<vmem>> -> memref<1x1x64xi32, #tpu.memory_space<vmem>>
      %dma_start3A_226 = tpu.memref_squeeze %dma_start3A_225 : memref<1x1x64xi32, #tpu.memory_space<vmem>> -> memref<64xi32, #tpu.memory_space<vmem>>
      %dma_start3A_227 = arith.constant 0 : i32
      %dma_start3A_228 = arith.constant 0 : i32
      %dma_start3A_229 = tpu.memref_slice %arg10[%dma_start3A_227, %dma_start3A_228] : memref<10112x128xf32, #tpu.memory_space<vmem_shared>> -> memref<10112x128xf32, #tpu.memory_space<vmem_shared>>
      %dma_start3A_230 = tpu.memref_slice %arg11[%dma_start3A_219] : memref<4x!tpu.dma_semaphore, #tpu.memory_space<semaphore_mem>> -> memref<1x!tpu.dma_semaphore, #tpu.memory_space<semaphore_mem>>
      %dma_start3A_231 = tpu.memref_squeeze %dma_start3A_230 : memref<1x!tpu.dma_semaphore, #tpu.memory_space<semaphore_mem>> -> memref<!tpu.dma_semaphore, #tpu.memory_space<semaphore_mem>>
      tpu.enqueue_indirect_dma source(%dma_start3A_223 : memref<64x128xf32, #tpu.memory_space<vmem>>) target(%dma_start3A_229 : memref<10112x128xf32, #tpu.memory_space<vmem_shared>>) offsets(%dma_start3A_226 : memref<64xi32, #tpu.memory_space<vmem>>) semaphore(%dma_start3A_231 : memref<!tpu.dma_semaphore, #tpu.memory_space<semaphore_mem>>) {add = true}
      %ge3A_232 = arith.constant 2 : i32
      %ge3A_233 = arith.cmpi sge, %add3A_198, %ge3A_232 : i32
      %convert_element_type3A_234 = arith.extui %ge3A_233 : i1 to i32
      %cond3A_235 = arith.constant 0 : i32
      %cond3A_236 = arith.cmpi ne, %convert_element_type3A_234, %cond3A_235 : i32
      scf.if %cond3A_236 {
        %dma_wait3A_291 = arith.constant 0 : i32
        %dma_wait3A_292 = arith.constant 0 : i32
        %dma_wait3A_293 = arith.constant 0 : i32
        %dma_wait3A_294 = arith.constant 0 : i32
        %dma_wait3A_295 = tpu.memref_slice %arg9[%dma_wait3A_291, %dma_wait3A_293, %dma_wait3A_294] : memref<4x64x128xf32, #tpu.memory_space<vmem>> -> memref<1x64x128xf32, #tpu.memory_space<vmem>>
        %dma_wait3A_296 = tpu.memref_squeeze %dma_wait3A_295 : memref<1x64x128xf32, #tpu.memory_space<vmem>> -> memref<64x128xf32, #tpu.memory_space<vmem>>
        %dma_wait3A_297 = arith.constant 0 : i32
        %dma_wait3A_298 = tpu.memref_slice %arg8[%rem3A_202, %rem3A_204, %dma_wait3A_297] : memref<3x16x64xi32, #tpu.memory_space<vmem>> -> memref<1x1x64xi32, #tpu.memory_space<vmem>>
        %dma_wait3A_299 = tpu.memref_squeeze %dma_wait3A_298 : memref<1x1x64xi32, #tpu.memory_space<vmem>> -> memref<64xi32, #tpu.memory_space<vmem>>
        %dma_wait3A_300 = arith.constant 0 : i32
        %dma_wait3A_301 = arith.constant 0 : i32
        %dma_wait3A_302 = tpu.memref_slice %arg10[%dma_wait3A_300, %dma_wait3A_301] : memref<10112x128xf32, #tpu.memory_space<vmem_shared>> -> memref<10112x128xf32, #tpu.memory_space<vmem_shared>>
        %dma_wait3A_303 = tpu.memref_slice %arg11[%dma_wait3A_292] : memref<4x!tpu.dma_semaphore, #tpu.memory_space<semaphore_mem>> -> memref<1x!tpu.dma_semaphore, #tpu.memory_space<semaphore_mem>>
        %dma_wait3A_304 = tpu.memref_squeeze %dma_wait3A_303 : memref<1x!tpu.dma_semaphore, #tpu.memory_space<semaphore_mem>> -> memref<!tpu.dma_semaphore, #tpu.memory_space<semaphore_mem>>
        tpu.wait_indirect_dma semaphore(%dma_wait3A_304 : memref<!tpu.dma_semaphore, #tpu.memory_space<semaphore_mem>>) src(%dma_wait3A_296 : memref<64x128xf32, #tpu.memory_space<vmem>>) dst(%dma_wait3A_302 : memref<10112x128xf32, #tpu.memory_space<vmem_shared>>)
      } else {
      }
      %add3A_237 = arith.constant 2 : i32
      %add3A_238 = arith.addi %add3A_198, %add3A_237 : i32
      %lt3A_239 = arith.constant 160 : i32
      %lt3A_240 = arith.cmpi slt, %add3A_238, %lt3A_239 : i32
      %convert_element_type3A_241 = arith.extui %lt3A_240 : i1 to i32
      %cond3A_242 = arith.constant 0 : i32
      %cond3A_243 = arith.cmpi ne, %convert_element_type3A_241, %cond3A_242 : i32
      scf.if %cond3A_243 {
        %add3A_291 = arith.constant 2 : i32
        %add3A_292 = arith.addi %add3A_198, %add3A_291 : i32
        %mul3A_293 = arith.constant 64 : i32
        %mul3A_294 = arith.muli %add3A_292, %mul3A_293 : i32
        %dma_start3A_295 = arith.constant 0 : i32
        %dma_start3A_296 = arith.constant 0 : i32
        %dma_start3A_297 = arith.constant 0 : i32
        %dma_start3A_298 = arith.constant 0 : i32
        %dma_start3A_299 = tpu.memref_slice %arg9[%dma_start3A_295, %dma_start3A_297, %dma_start3A_298] : memref<4x64x128xf32, #tpu.memory_space<vmem>> -> memref<1x64x128xf32, #tpu.memory_space<vmem>>
        %dma_start3A_300 = tpu.memref_squeeze %dma_start3A_299 : memref<1x64x128xf32, #tpu.memory_space<vmem>> -> memref<64x128xf32, #tpu.memory_space<vmem>>
        %dma_start3A_301 = tpu.memref_slice %arg7[%mul3A_294] : memref<10240xi32, #tpu.memory_space<vmem>> -> memref<64xi32, #tpu.memory_space<vmem>>
        %dma_start3A_302 = arith.constant 0 : i32
        %dma_start3A_303 = arith.constant 0 : i32
        %dma_start3A_304 = tpu.memref_slice %arg2[%dma_start3A_302, %dma_start3A_303] : memref<10000x128xf32, #tpu.memory_space<hbm>> -> memref<10000x128xf32, #tpu.memory_space<hbm>>
        %dma_start3A_305 = tpu.memref_slice %arg11[%dma_start3A_296] : memref<4x!tpu.dma_semaphore, #tpu.memory_space<semaphore_mem>> -> memref<1x!tpu.dma_semaphore, #tpu.memory_space<semaphore_mem>>
        %dma_start3A_306 = tpu.memref_squeeze %dma_start3A_305 : memref<1x!tpu.dma_semaphore, #tpu.memory_space<semaphore_mem>> -> memref<!tpu.dma_semaphore, #tpu.memory_space<semaphore_mem>>
        tpu.enqueue_indirect_dma source(%dma_start3A_304 : memref<10000x128xf32, #tpu.memory_space<hbm>>) target(%dma_start3A_300 : memref<64x128xf32, #tpu.memory_space<vmem>>) offsets(%dma_start3A_301 : memref<64xi32, #tpu.memory_space<vmem>>) semaphore(%dma_start3A_306 : memref<!tpu.dma_semaphore, #tpu.memory_space<semaphore_mem>>)
      } else {
      }
      %add3A_244 = arith.constant 3 : i32
      %add3A_245 = arith.addi %mul3A_86, %add3A_244 : i32
      %div3A_246 = arith.constant 16 : i32
      %div3A_247 = arith.divsi %add3A_245, %div3A_246 : i32
      %rem3A_248 = arith.constant 3 : i32
      %rem3A_249 = arith.remsi %div3A_247, %rem3A_248 : i32
      %rem3A_250 = arith.constant 16 : i32
      %rem3A_251 = arith.remsi %add3A_245, %rem3A_250 : i32
      %dma_wait3A_252 = arith.constant 3 : i32
      %dma_wait3A_253 = arith.constant 3 : i32
      %dma_wait3A_254 = arith.constant 0 : i32
      %dma_wait3A_255 = arith.constant 0 : i32
      %dma_wait3A_256 = tpu.memref_slice %arg9[%dma_wait3A_252, %dma_wait3A_254, %dma_wait3A_255] : memref<4x64x128xf32, #tpu.memory_space<vmem>> -> memref<1x64x128xf32, #tpu.memory_space<vmem>>
      %dma_wait3A_257 = tpu.memref_squeeze %dma_wait3A_256 : memref<1x64x128xf32, #tpu.memory_space<vmem>> -> memref<64x128xf32, #tpu.memory_space<vmem>>
      %dma_wait3A_258 = arith.constant 0 : i32
      %dma_wait3A_259 = tpu.memref_slice %arg7[%dma_wait3A_258] : memref<10240xi32, #tpu.memory_space<vmem>> -> memref<64xi32, #tpu.memory_space<vmem>>
      %dma_wait3A_260 = arith.constant 0 : i32
      %dma_wait3A_261 = arith.constant 0 : i32
      %dma_wait3A_262 = tpu.memref_slice %arg2[%dma_wait3A_260, %dma_wait3A_261] : memref<10000x128xf32, #tpu.memory_space<hbm>> -> memref<10000x128xf32, #tpu.memory_space<hbm>>
      %dma_wait3A_263 = tpu.memref_slice %arg11[%dma_wait3A_253] : memref<4x!tpu.dma_semaphore, #tpu.memory_space<semaphore_mem>> -> memref<1x!tpu.dma_semaphore, #tpu.memory_space<semaphore_mem>>
      %dma_wait3A_264 = tpu.memref_squeeze %dma_wait3A_263 : memref<1x!tpu.dma_semaphore, #tpu.memory_space<semaphore_mem>> -> memref<!tpu.dma_semaphore, #tpu.memory_space<semaphore_mem>>
      tpu.wait_indirect_dma semaphore(%dma_wait3A_264 : memref<!tpu.dma_semaphore, #tpu.memory_space<semaphore_mem>>) src(%dma_wait3A_262 : memref<10000x128xf32, #tpu.memory_space<hbm>>) dst(%dma_wait3A_257 : memref<64x128xf32, #tpu.memory_space<vmem>>)
      %dma_start3A_265 = arith.constant 3 : i32
      %dma_start3A_266 = arith.constant 3 : i32
      %dma_start3A_267 = arith.constant 0 : i32
      %dma_start3A_268 = arith.constant 0 : i32
      %dma_start3A_269 = tpu.memref_slice %arg9[%dma_start3A_265, %dma_start3A_267, %dma_start3A_268] : memref<4x64x128xf32, #tpu.memory_space<vmem>> -> memref<1x64x128xf32, #tpu.memory_space<vmem>>
      %dma_start3A_270 = tpu.memref_squeeze %dma_start3A_269 : memref<1x64x128xf32, #tpu.memory_space<vmem>> -> memref<64x128xf32, #tpu.memory_space<vmem>>
      %dma_start3A_271 = arith.constant 0 : i32
      %dma_start3A_272 = tpu.memref_slice %arg8[%rem3A_249, %rem3A_251, %dma_start3A_271] : memref<3x16x64xi32, #tpu.memory_space<vmem>> -> memref<1x1x64xi32, #tpu.memory_space<vmem>>
      %dma_start3A_273 = tpu.memref_squeeze %dma_start3A_272 : memref<1x1x64xi32, #tpu.memory_space<vmem>> -> memref<64xi32, #tpu.memory_space<vmem>>
      %dma_start3A_274 = arith.constant 0 : i32
      %dma_start3A_275 = arith.constant 0 : i32
      %dma_start3A_276 = tpu.memref_slice %arg10[%dma_start3A_274, %dma_start3A_275] : memref<10112x128xf32, #tpu.memory_space<vmem_shared>> -> memref<10112x128xf32, #tpu.memory_space<vmem_shared>>
      %dma_start3A_277 = tpu.memref_slice %arg11[%dma_start3A_266] : memref<4x!tpu.dma_semaphore, #tpu.memory_space<semaphore_mem>> -> memref<1x!tpu.dma_semaphore, #tpu.memory_space<semaphore_mem>>
      %dma_start3A_278 = tpu.memref_squeeze %dma_start3A_277 : memref<1x!tpu.dma_semaphore, #tpu.memory_space<semaphore_mem>> -> memref<!tpu.dma_semaphore, #tpu.memory_space<semaphore_mem>>
      tpu.enqueue_indirect_dma source(%dma_start3A_270 : memref<64x128xf32, #tpu.memory_space<vmem>>) target(%dma_start3A_276 : memref<10112x128xf32, #tpu.memory_space<vmem_shared>>) offsets(%dma_start3A_273 : memref<64xi32, #tpu.memory_space<vmem>>) semaphore(%dma_start3A_278 : memref<!tpu.dma_semaphore, #tpu.memory_space<semaphore_mem>>) {add = true}
      %ge3A_279 = arith.constant 2 : i32
      %ge3A_280 = arith.cmpi sge, %add3A_245, %ge3A_279 : i32
      %convert_element_type3A_281 = arith.extui %ge3A_280 : i1 to i32
      %cond3A_282 = arith.constant 0 : i32
      %cond3A_283 = arith.cmpi ne, %convert_element_type3A_281, %cond3A_282 : i32
      scf.if %cond3A_283 {
        %dma_wait3A_291 = arith.constant 1 : i32
        %dma_wait3A_292 = arith.constant 1 : i32
        %dma_wait3A_293 = arith.constant 0 : i32
        %dma_wait3A_294 = arith.constant 0 : i32
        %dma_wait3A_295 = tpu.memref_slice %arg9[%dma_wait3A_291, %dma_wait3A_293, %dma_wait3A_294] : memref<4x64x128xf32, #tpu.memory_space<vmem>> -> memref<1x64x128xf32, #tpu.memory_space<vmem>>
        %dma_wait3A_296 = tpu.memref_squeeze %dma_wait3A_295 : memref<1x64x128xf32, #tpu.memory_space<vmem>> -> memref<64x128xf32, #tpu.memory_space<vmem>>
        %dma_wait3A_297 = arith.constant 0 : i32
        %dma_wait3A_298 = tpu.memref_slice %arg8[%rem3A_249, %rem3A_251, %dma_wait3A_297] : memref<3x16x64xi32, #tpu.memory_space<vmem>> -> memref<1x1x64xi32, #tpu.memory_space<vmem>>
        %dma_wait3A_299 = tpu.memref_squeeze %dma_wait3A_298 : memref<1x1x64xi32, #tpu.memory_space<vmem>> -> memref<64xi32, #tpu.memory_space<vmem>>
        %dma_wait3A_300 = arith.constant 0 : i32
        %dma_wait3A_301 = arith.constant 0 : i32
        %dma_wait3A_302 = tpu.memref_slice %arg10[%dma_wait3A_300, %dma_wait3A_301] : memref<10112x128xf32, #tpu.memory_space<vmem_shared>> -> memref<10112x128xf32, #tpu.memory_space<vmem_shared>>
        %dma_wait3A_303 = tpu.memref_slice %arg11[%dma_wait3A_292] : memref<4x!tpu.dma_semaphore, #tpu.memory_space<semaphore_mem>> -> memref<1x!tpu.dma_semaphore, #tpu.memory_space<semaphore_mem>>
        %dma_wait3A_304 = tpu.memref_squeeze %dma_wait3A_303 : memref<1x!tpu.dma_semaphore, #tpu.memory_space<semaphore_mem>> -> memref<!tpu.dma_semaphore, #tpu.memory_space<semaphore_mem>>
        tpu.wait_indirect_dma semaphore(%dma_wait3A_304 : memref<!tpu.dma_semaphore, #tpu.memory_space<semaphore_mem>>) src(%dma_wait3A_296 : memref<64x128xf32, #tpu.memory_space<vmem>>) dst(%dma_wait3A_302 : memref<10112x128xf32, #tpu.memory_space<vmem_shared>>)
      } else {
      }
      %add3A_284 = arith.constant 2 : i32
      %add3A_285 = arith.addi %add3A_245, %add3A_284 : i32
      %lt3A_286 = arith.constant 160 : i32
      %lt3A_287 = arith.cmpi slt, %add3A_285, %lt3A_286 : i32
      %convert_element_type3A_288 = arith.extui %lt3A_287 : i1 to i32
      %cond3A_289 = arith.constant 0 : i32
      %cond3A_290 = arith.cmpi ne, %convert_element_type3A_288, %cond3A_289 : i32
      scf.if %cond3A_290 {
        %add3A_291 = arith.constant 2 : i32
        %add3A_292 = arith.addi %add3A_245, %add3A_291 : i32
        %mul3A_293 = arith.constant 64 : i32
        %mul3A_294 = arith.muli %add3A_292, %mul3A_293 : i32
        %dma_start3A_295 = arith.constant 1 : i32
        %dma_start3A_296 = arith.constant 1 : i32
        %dma_start3A_297 = arith.constant 0 : i32
        %dma_start3A_298 = arith.constant 0 : i32
        %dma_start3A_299 = tpu.memref_slice %arg9[%dma_start3A_295, %dma_start3A_297, %dma_start3A_298] : memref<4x64x128xf32, #tpu.memory_space<vmem>> -> memref<1x64x128xf32, #tpu.memory_space<vmem>>
        %dma_start3A_300 = tpu.memref_squeeze %dma_start3A_299 : memref<1x64x128xf32, #tpu.memory_space<vmem>> -> memref<64x128xf32, #tpu.memory_space<vmem>>
        %dma_start3A_301 = tpu.memref_slice %arg7[%mul3A_294] : memref<10240xi32, #tpu.memory_space<vmem>> -> memref<64xi32, #tpu.memory_space<vmem>>
        %dma_start3A_302 = arith.constant 0 : i32
        %dma_start3A_303 = arith.constant 0 : i32
        %dma_start3A_304 = tpu.memref_slice %arg2[%dma_start3A_302, %dma_start3A_303] : memref<10000x128xf32, #tpu.memory_space<hbm>> -> memref<10000x128xf32, #tpu.memory_space<hbm>>
        %dma_start3A_305 = tpu.memref_slice %arg11[%dma_start3A_296] : memref<4x!tpu.dma_semaphore, #tpu.memory_space<semaphore_mem>> -> memref<1x!tpu.dma_semaphore, #tpu.memory_space<semaphore_mem>>
        %dma_start3A_306 = tpu.memref_squeeze %dma_start3A_305 : memref<1x!tpu.dma_semaphore, #tpu.memory_space<semaphore_mem>> -> memref<!tpu.dma_semaphore, #tpu.memory_space<semaphore_mem>>
        tpu.enqueue_indirect_dma source(%dma_start3A_304 : memref<10000x128xf32, #tpu.memory_space<hbm>>) target(%dma_start3A_300 : memref<64x128xf32, #tpu.memory_space<vmem>>) offsets(%dma_start3A_301 : memref<64xi32, #tpu.memory_space<vmem>>) semaphore(%dma_start3A_306 : memref<!tpu.dma_semaphore, #tpu.memory_space<semaphore_mem>>)
      } else {
      }
    }
    %scan3A_53 = arith.constant 40 : i32
    %dma_wait3A = arith.constant 2 : i32
    %dma_wait3A_54 = arith.constant 2 : i32
    %dma_wait3A_55 = arith.constant 0 : i32
    %dma_wait3A_56 = arith.constant 0 : i32
    %dma_wait3A_57 = tpu.memref_slice %arg9[%dma_wait3A, %dma_wait3A_55, %dma_wait3A_56] : memref<4x64x128xf32, #tpu.memory_space<vmem>> -> memref<1x64x128xf32, #tpu.memory_space<vmem>>
    %dma_wait3A_58 = tpu.memref_squeeze %dma_wait3A_57 : memref<1x64x128xf32, #tpu.memory_space<vmem>> -> memref<64x128xf32, #tpu.memory_space<vmem>>
    %dma_wait3A_59 = arith.constant 0 : i32
    %dma_wait3A_60 = tpu.memref_slice %arg7[%dma_wait3A_59] : memref<10240xi32, #tpu.memory_space<vmem>> -> memref<64xi32, #tpu.memory_space<vmem>>
    %dma_wait3A_61 = arith.constant 0 : i32
    %dma_wait3A_62 = arith.constant 0 : i32
    %dma_wait3A_63 = tpu.memref_slice %arg2[%dma_wait3A_61, %dma_wait3A_62] : memref<10000x128xf32, #tpu.memory_space<hbm>> -> memref<10000x128xf32, #tpu.memory_space<hbm>>
    %dma_wait3A_64 = tpu.memref_slice %arg11[%dma_wait3A_54] : memref<4x!tpu.dma_semaphore, #tpu.memory_space<semaphore_mem>> -> memref<1x!tpu.dma_semaphore, #tpu.memory_space<semaphore_mem>>
    %dma_wait3A_65 = tpu.memref_squeeze %dma_wait3A_64 : memref<1x!tpu.dma_semaphore, #tpu.memory_space<semaphore_mem>> -> memref<!tpu.dma_semaphore, #tpu.memory_space<semaphore_mem>>
    tpu.wait_indirect_dma semaphore(%dma_wait3A_65 : memref<!tpu.dma_semaphore, #tpu.memory_space<semaphore_mem>>) src(%dma_wait3A_63 : memref<10000x128xf32, #tpu.memory_space<hbm>>) dst(%dma_wait3A_58 : memref<64x128xf32, #tpu.memory_space<vmem>>)
    %dma_wait3A_66 = arith.constant 3 : i32
    %dma_wait3A_67 = arith.constant 3 : i32
    %dma_wait3A_68 = arith.constant 0 : i32
    %dma_wait3A_69 = arith.constant 0 : i32
    %dma_wait3A_70 = tpu.memref_slice %arg9[%dma_wait3A_66, %dma_wait3A_68, %dma_wait3A_69] : memref<4x64x128xf32, #tpu.memory_space<vmem>> -> memref<1x64x128xf32, #tpu.memory_space<vmem>>
    %dma_wait3A_71 = tpu.memref_squeeze %dma_wait3A_70 : memref<1x64x128xf32, #tpu.memory_space<vmem>> -> memref<64x128xf32, #tpu.memory_space<vmem>>
    %dma_wait3A_72 = arith.constant 0 : i32
    %dma_wait3A_73 = tpu.memref_slice %arg7[%dma_wait3A_72] : memref<10240xi32, #tpu.memory_space<vmem>> -> memref<64xi32, #tpu.memory_space<vmem>>
    %dma_wait3A_74 = arith.constant 0 : i32
    %dma_wait3A_75 = arith.constant 0 : i32
    %dma_wait3A_76 = tpu.memref_slice %arg2[%dma_wait3A_74, %dma_wait3A_75] : memref<10000x128xf32, #tpu.memory_space<hbm>> -> memref<10000x128xf32, #tpu.memory_space<hbm>>
    %dma_wait3A_77 = tpu.memref_slice %arg11[%dma_wait3A_67] : memref<4x!tpu.dma_semaphore, #tpu.memory_space<semaphore_mem>> -> memref<1x!tpu.dma_semaphore, #tpu.memory_space<semaphore_mem>>
    %dma_wait3A_78 = tpu.memref_squeeze %dma_wait3A_77 : memref<1x!tpu.dma_semaphore, #tpu.memory_space<semaphore_mem>> -> memref<!tpu.dma_semaphore, #tpu.memory_space<semaphore_mem>>
    tpu.wait_indirect_dma semaphore(%dma_wait3A_78 : memref<!tpu.dma_semaphore, #tpu.memory_space<semaphore_mem>>) src(%dma_wait3A_76 : memref<10000x128xf32, #tpu.memory_space<hbm>>) dst(%dma_wait3A_71 : memref<64x128xf32, #tpu.memory_space<vmem>>)
    %barrier3A_79 = arith.constant 0 : index
    tpu.barrier barrier_id(%barrier3A_79)
    %mul3A_80 = arith.constant 632 : i32
    %mul3A_81 = arith.muli %arg1, %mul3A_80 : i32
    %mul3A_82 = arith.constant 632 : i32
    %mul3A_83 = arith.muli %arg1, %mul3A_82 : i32
    "tpu.region"() ({
      %run_scoped3A_84 = tpu.sem_alloc : memref<!tpu.dma_semaphore, #tpu.memory_space<semaphore_mem>>
      %dma_start3A_85 = arith.constant 0 : i32
      %dma_start3A_86 = tpu.memref_slice %arg6[%arg0, %mul3A_83, %dma_start3A_85] : memref<2x10112x128xf32, #tpu.memory_space<hbm>> -> memref<1x632x128xf32, #tpu.memory_space<hbm>>
      %dma_start3A_87 = tpu.memref_squeeze %dma_start3A_86 : memref<1x632x128xf32, #tpu.memory_space<hbm>> -> memref<632x128xf32, #tpu.memory_space<hbm>>
      %dma_start3A_88 = arith.constant 0 : i32
      %dma_start3A_89 = tpu.memref_slice %arg10[%mul3A_81, %dma_start3A_88] : memref<10112x128xf32, #tpu.memory_space<vmem_shared>> -> memref<632x128xf32, #tpu.memory_space<vmem_shared>>
      tpu.enqueue_dma source(%dma_start3A_89 : memref<632x128xf32, #tpu.memory_space<vmem_shared>>) target(%dma_start3A_87 : memref<632x128xf32, #tpu.memory_space<hbm>>) target_semaphore(%run_scoped3A_84 : memref<!tpu.dma_semaphore, #tpu.memory_space<semaphore_mem>>)
      %dma_wait3A_90 = arith.constant 0 : i32
      %dma_wait3A_91 = tpu.memref_slice %arg6[%arg0, %mul3A_83, %dma_wait3A_90] : memref<2x10112x128xf32, #tpu.memory_space<hbm>> -> memref<1x632x128xf32, #tpu.memory_space<hbm>>
      %dma_wait3A_92 = tpu.memref_squeeze %dma_wait3A_91 : memref<1x632x128xf32, #tpu.memory_space<hbm>> -> memref<632x128xf32, #tpu.memory_space<hbm>>
      %dma_wait3A_93 = arith.constant 0 : i32
      %dma_wait3A_94 = tpu.memref_slice %arg10[%mul3A_81, %dma_wait3A_93] : memref<10112x128xf32, #tpu.memory_space<vmem_shared>> -> memref<632x128xf32, #tpu.memory_space<vmem_shared>>
      tpu.wait_dma2 semaphore(%run_scoped3A_84 : memref<!tpu.dma_semaphore, #tpu.memory_space<semaphore_mem>>) src(%dma_wait3A_94 : memref<632x128xf32, #tpu.memory_space<vmem_shared>>) dst(%dma_wait3A_92 : memref<632x128xf32, #tpu.memory_space<hbm>>)
      tpu.yield
    }) : () -> ()
    return
  }
}

module attributes {stable_mosaic.version = 14 : i64} {
  func.func @body(%arg0: memref<10000x128xf32, #tpu.memory_space<vmem>>, %arg1: memref<128x128xf32, #tpu.memory_space<vmem>>, %arg2: memref<128x128xf32, #tpu.memory_space<vmem>>, %arg3: memref<10000x128xf32, #tpu.memory_space<vmem>>, %arg4: memref<10000x128xf32, #tpu.memory_space<vmem>>) attributes {dimension_semantics = [], scalar_prefetch = 0 : i64, scratch_operands = 0 : i64, tpu.core_type = #tpu.core_type<tc>} {
    %get3A = arith.constant 0 : index
    %get3A_0 = arith.constant 0 : index
    %get3A_1 = vector.load %arg0[%get3A, %get3A_0] : memref<10000x128xf32, #tpu.memory_space<vmem>>, vector<10000x128xf32>
    %get3A_2 = arith.constant 0 : index
    %get3A_3 = arith.constant 0 : index
    %get3A_4 = vector.load %arg1[%get3A_2, %get3A_3] : memref<128x128xf32, #tpu.memory_space<vmem>>, vector<128x128xf32>
    %dot_general3A = arith.constant dense<0.000000e+00> : vector<10000x128xf32>
    %dot_general3A_5 = tpu.matmul %get3A_1, %get3A_4, %dot_general3A {dimension_numbers = #tpu.dot_dimension_numbers<[1], [0], [0], [1], [0, 0, 1, 1], [], []>, transpose_lhs_hint = false} : vector<10000x128xf32>, vector<128x128xf32>, vector<10000x128xf32> -> vector<10000x128xf32>
    %swap3A = arith.constant 0 : index
    %swap3A_6 = arith.constant 0 : index
    %swap3A_7 = vector.load %arg3[%swap3A, %swap3A_6] : memref<10000x128xf32, #tpu.memory_space<vmem>>, vector<10000x128xf32>
    tpu.vector_store %arg3[%swap3A, %swap3A_6], %dot_general3A_5 {strides = array<i32>} : memref<10000x128xf32, #tpu.memory_space<vmem>>, vector<10000x128xf32>,
    %get3A_8 = arith.constant 0 : index
    %get3A_9 = arith.constant 0 : index
    %get3A_10 = vector.load %arg2[%get3A_8, %get3A_9] : memref<128x128xf32, #tpu.memory_space<vmem>>, vector<128x128xf32>
    %dot_general3A_11 = arith.constant dense<0.000000e+00> : vector<10000x128xf32>
    %dot_general3A_12 = tpu.matmul %get3A_1, %get3A_10, %dot_general3A_11 {dimension_numbers = #tpu.dot_dimension_numbers<[1], [0], [0], [1], [0, 0, 1, 1], [], []>, transpose_lhs_hint = false} : vector<10000x128xf32>, vector<128x128xf32>, vector<10000x128xf32> -> vector<10000x128xf32>
    %swap3A_13 = arith.constant 0 : index
    %swap3A_14 = arith.constant 0 : index
    %swap3A_15 = vector.load %arg4[%swap3A_13, %swap3A_14] : memref<10000x128xf32, #tpu.memory_space<vmem>>, vector<10000x128xf32>
    tpu.vector_store %arg4[%swap3A_13, %swap3A_14], %dot_general3A_12 {strides = array<i32>} : memref<10000x128xf32, #tpu.memory_space<vmem>>, vector<10000x128xf32>,
    return
  }
}

module attributes {stable_mosaic.version = 14 : i64} {
  func.func @body(%arg0: memref<2x10112x128xf32, #tpu.memory_space<vmem>>, %arg1: memref<10000x128xf32, #tpu.memory_space<vmem>>, %arg2: memref<1x128xf32, #tpu.memory_space<vmem>>, %arg3: memref<1x128xf32, #tpu.memory_space<vmem>>, %arg4: memref<128x128xf32, #tpu.memory_space<vmem>>, %arg5: memref<128x128xf32, #tpu.memory_space<vmem>>, %arg6: memref<10000x128xf32, #tpu.memory_space<vmem>>, %arg7: memref<10000x128xf32, #tpu.memory_space<vmem>>) attributes {dimension_semantics = [], scalar_prefetch = 0 : i64, scratch_operands = 0 : i64, tpu.core_type = #tpu.core_type<tc>} {
    %get3A = arith.constant 0 : index
    %get3A_0 = arith.constant 0 : index
    %get3A_1 = arith.constant 0 : index
    %get3A_2 = vector.load %arg0[%get3A, %get3A_0, %get3A_1] : memref<2x10112x128xf32, #tpu.memory_space<vmem>>, vector<1x10000x128xf32>
    %get3A_3 = vector.shape_cast %get3A_2 : vector<1x10000x128xf32> to vector<10000x128xf32>
    %get3A_4 = arith.constant 1 : index
    %get3A_5 = arith.constant 0 : index
    %get3A_6 = arith.constant 0 : index
    %get3A_7 = vector.load %arg0[%get3A_4, %get3A_5, %get3A_6] : memref<2x10112x128xf32, #tpu.memory_space<vmem>>, vector<1x10000x128xf32>
    %get3A_8 = vector.shape_cast %get3A_7 : vector<1x10000x128xf32> to vector<10000x128xf32>
    %add3A = arith.addf %get3A_3, %get3A_8 : vector<10000x128xf32>
    %get3A_9 = arith.constant 0 : index
    %get3A_10 = arith.constant 0 : index
    %get3A_11 = vector.load %arg1[%get3A_9, %get3A_10] : memref<10000x128xf32, #tpu.memory_space<vmem>>, vector<10000x128xf32>
    %add3A_12 = arith.addf %add3A, %get3A_11 : vector<10000x128xf32>
    %get3A_13 = arith.constant 0 : index
    %get3A_14 = arith.constant 0 : index
    %get3A_15 = vector.load %arg2[%get3A_13, %get3A_14] : memref<1x128xf32, #tpu.memory_space<vmem>>, vector<1x128xf32>
    %get3A_16 = arith.constant 0 : index
    %get3A_17 = arith.constant 0 : index
    %get3A_18 = vector.load %arg3[%get3A_16, %get3A_17] : memref<1x128xf32, #tpu.memory_space<vmem>>, vector<1x128xf32>
    %reduce_sum3A = arith.constant dense<0.000000e+00> : vector<128xf32>
    %reduce_sum3A_19 = vector.multi_reduction <add>, %add3A_12, %reduce_sum3A [0] : vector<10000x128xf32> to vector<128xf32>
    %broadcast_in_dim3A = vector.shape_cast %reduce_sum3A_19 : vector<128xf32> to vector<1x128xf32>
    %div3A = arith.constant 1.000000e+04 : f32
    %div3A_20 = vector.broadcast %div3A : f32 to vector<1x128xf32>
    %div3A_21 = arith.divf %broadcast_in_dim3A, %div3A_20 : vector<1x128xf32>
    %sub3A = vector.broadcast %div3A_21 : vector<1x128xf32> to vector<10000x128xf32>
    %sub3A_22 = arith.subf %add3A_12, %sub3A : vector<10000x128xf32>
    %integer_pow3A = arith.mulf %sub3A_22, %sub3A_22 : vector<10000x128xf32>
    %reduce_sum3A_23 = arith.constant dense<0.000000e+00> : vector<128xf32>
    %reduce_sum3A_24 = vector.multi_reduction <add>, %integer_pow3A, %reduce_sum3A_23 [0] : vector<10000x128xf32> to vector<128xf32>
    %broadcast_in_dim3A_25 = vector.shape_cast %reduce_sum3A_24 : vector<128xf32> to vector<1x128xf32>
    %div3A_26 = arith.constant 1.000000e+04 : f32
    %div3A_27 = vector.broadcast %div3A_26 : f32 to vector<1x128xf32>
    %div3A_28 = arith.divf %broadcast_in_dim3A_25, %div3A_27 : vector<1x128xf32>
    %sub3A_29 = vector.broadcast %div3A_21 : vector<1x128xf32> to vector<10000x128xf32>
    %sub3A_30 = arith.subf %add3A_12, %sub3A_29 : vector<10000x128xf32>
    %add3A_31 = arith.constant 9.99999974E-6 : f32
    %add3A_32 = vector.broadcast %add3A_31 : f32 to vector<1x128xf32>
    %add3A_33 = arith.addf %div3A_28, %add3A_32 : vector<1x128xf32>
    %rsqrt3A = math.rsqrt %add3A_33 : vector<1x128xf32>
    %mul3A = vector.broadcast %rsqrt3A : vector<1x128xf32> to vector<10000x128xf32>
    %mul3A_34 = arith.mulf %sub3A_30, %mul3A : vector<10000x128xf32>
    %mul3A_35 = vector.broadcast %get3A_15 : vector<1x128xf32> to vector<10000x128xf32>
    %mul3A_36 = arith.mulf %mul3A_34, %mul3A_35 : vector<10000x128xf32>
    %add3A_37 = vector.broadcast %get3A_18 : vector<1x128xf32> to vector<10000x128xf32>
    %add3A_38 = arith.addf %mul3A_36, %add3A_37 : vector<10000x128xf32>
    %max3A = arith.constant 0.000000e+00 : f32
    %max3A_39 = vector.broadcast %max3A : f32 to vector<10000x128xf32>
    %max3A_40 = arith.maximumf %add3A_38, %max3A_39 : vector<10000x128xf32>
    %get3A_41 = arith.constant 0 : index
    %get3A_42 = arith.constant 0 : index
    %get3A_43 = vector.load %arg4[%get3A_41, %get3A_42] : memref<128x128xf32, #tpu.memory_space<vmem>>, vector<128x128xf32>
    %dot_general3A = arith.constant dense<0.000000e+00> : vector<10000x128xf32>
    %dot_general3A_44 = tpu.matmul %max3A_40, %get3A_43, %dot_general3A {dimension_numbers = #tpu.dot_dimension_numbers<[1], [0], [0], [1], [0, 0, 1, 1], [], []>, transpose_lhs_hint = false} : vector<10000x128xf32>, vector<128x128xf32>, vector<10000x128xf32> -> vector<10000x128xf32>
    %swap3A = arith.constant 0 : index
    %swap3A_45 = arith.constant 0 : index
    %swap3A_46 = vector.load %arg6[%swap3A, %swap3A_45] : memref<10000x128xf32, #tpu.memory_space<vmem>>, vector<10000x128xf32>
    tpu.vector_store %arg6[%swap3A, %swap3A_45], %dot_general3A_44 {strides = array<i32>} : memref<10000x128xf32, #tpu.memory_space<vmem>>, vector<10000x128xf32>,
    %get3A_47 = arith.constant 0 : index
    %get3A_48 = arith.constant 0 : index
    %get3A_49 = vector.load %arg5[%get3A_47, %get3A_48] : memref<128x128xf32, #tpu.memory_space<vmem>>, vector<128x128xf32>
    %dot_general3A_50 = arith.constant dense<0.000000e+00> : vector<10000x128xf32>
    %dot_general3A_51 = tpu.matmul %max3A_40, %get3A_49, %dot_general3A_50 {dimension_numbers = #tpu.dot_dimension_numbers<[1], [0], [0], [1], [0, 0, 1, 1], [], []>, transpose_lhs_hint = false} : vector<10000x128xf32>, vector<128x128xf32>, vector<10000x128xf32> -> vector<10000x128xf32>
    %swap3A_52 = arith.constant 0 : index
    %swap3A_53 = arith.constant 0 : index
    %swap3A_54 = vector.load %arg7[%swap3A_52, %swap3A_53] : memref<10000x128xf32, #tpu.memory_space<vmem>>, vector<10000x128xf32>
    tpu.vector_store %arg7[%swap3A_52, %swap3A_53], %dot_general3A_51 {strides = array<i32>} : memref<10000x128xf32, #tpu.memory_space<vmem>>, vector<10000x128xf32>,
    return
  }
}

module attributes {stable_mosaic.version = 14 : i64} {
  func.func @body(%arg0: memref<2x10112x128xf32, #tpu.memory_space<vmem>>, %arg1: memref<10000x128xf32, #tpu.memory_space<vmem>>, %arg2: memref<1x128xf32, #tpu.memory_space<vmem>>, %arg3: memref<1x128xf32, #tpu.memory_space<vmem>>, %arg4: memref<10000x128xf32, #tpu.memory_space<vmem>>, %arg5: memref<10000x256xf32, #tpu.memory_space<vmem>>) attributes {dimension_semantics = [], scalar_prefetch = 0 : i64, scratch_operands = 0 : i64, tpu.core_type = #tpu.core_type<tc>} {
    %get3A = arith.constant 0 : index
    %get3A_0 = arith.constant 0 : index
    %get3A_1 = arith.constant 0 : index
    %get3A_2 = vector.load %arg0[%get3A, %get3A_0, %get3A_1] : memref<2x10112x128xf32, #tpu.memory_space<vmem>>, vector<1x10000x128xf32>
    %get3A_3 = vector.shape_cast %get3A_2 : vector<1x10000x128xf32> to vector<10000x128xf32>
    %get3A_4 = arith.constant 1 : index
    %get3A_5 = arith.constant 0 : index
    %get3A_6 = arith.constant 0 : index
    %get3A_7 = vector.load %arg0[%get3A_4, %get3A_5, %get3A_6] : memref<2x10112x128xf32, #tpu.memory_space<vmem>>, vector<1x10000x128xf32>
    %get3A_8 = vector.shape_cast %get3A_7 : vector<1x10000x128xf32> to vector<10000x128xf32>
    %add3A = arith.addf %get3A_3, %get3A_8 : vector<10000x128xf32>
    %get3A_9 = arith.constant 0 : index
    %get3A_10 = arith.constant 0 : index
    %get3A_11 = vector.load %arg1[%get3A_9, %get3A_10] : memref<10000x128xf32, #tpu.memory_space<vmem>>, vector<10000x128xf32>
    %add3A_12 = arith.addf %add3A, %get3A_11 : vector<10000x128xf32>
    %get3A_13 = arith.constant 0 : index
    %get3A_14 = arith.constant 0 : index
    %get3A_15 = vector.load %arg2[%get3A_13, %get3A_14] : memref<1x128xf32, #tpu.memory_space<vmem>>, vector<1x128xf32>
    %get3A_16 = arith.constant 0 : index
    %get3A_17 = arith.constant 0 : index
    %get3A_18 = vector.load %arg3[%get3A_16, %get3A_17] : memref<1x128xf32, #tpu.memory_space<vmem>>, vector<1x128xf32>
    %reduce_sum3A = arith.constant dense<0.000000e+00> : vector<128xf32>
    %reduce_sum3A_19 = vector.multi_reduction <add>, %add3A_12, %reduce_sum3A [0] : vector<10000x128xf32> to vector<128xf32>
    %broadcast_in_dim3A = vector.shape_cast %reduce_sum3A_19 : vector<128xf32> to vector<1x128xf32>
    %div3A = arith.constant 1.000000e+04 : f32
    %div3A_20 = vector.broadcast %div3A : f32 to vector<1x128xf32>
    %div3A_21 = arith.divf %broadcast_in_dim3A, %div3A_20 : vector<1x128xf32>
    %sub3A = vector.broadcast %div3A_21 : vector<1x128xf32> to vector<10000x128xf32>
    %sub3A_22 = arith.subf %add3A_12, %sub3A : vector<10000x128xf32>
    %integer_pow3A = arith.mulf %sub3A_22, %sub3A_22 : vector<10000x128xf32>
    %reduce_sum3A_23 = arith.constant dense<0.000000e+00> : vector<128xf32>
    %reduce_sum3A_24 = vector.multi_reduction <add>, %integer_pow3A, %reduce_sum3A_23 [0] : vector<10000x128xf32> to vector<128xf32>
    %broadcast_in_dim3A_25 = vector.shape_cast %reduce_sum3A_24 : vector<128xf32> to vector<1x128xf32>
    %div3A_26 = arith.constant 1.000000e+04 : f32
    %div3A_27 = vector.broadcast %div3A_26 : f32 to vector<1x128xf32>
    %div3A_28 = arith.divf %broadcast_in_dim3A_25, %div3A_27 : vector<1x128xf32>
    %sub3A_29 = vector.broadcast %div3A_21 : vector<1x128xf32> to vector<10000x128xf32>
    %sub3A_30 = arith.subf %add3A_12, %sub3A_29 : vector<10000x128xf32>
    %add3A_31 = arith.constant 9.99999974E-6 : f32
    %add3A_32 = vector.broadcast %add3A_31 : f32 to vector<1x128xf32>
    %add3A_33 = arith.addf %div3A_28, %add3A_32 : vector<1x128xf32>
    %rsqrt3A = math.rsqrt %add3A_33 : vector<1x128xf32>
    %mul3A = vector.broadcast %rsqrt3A : vector<1x128xf32> to vector<10000x128xf32>
    %mul3A_34 = arith.mulf %sub3A_30, %mul3A : vector<10000x128xf32>
    %mul3A_35 = vector.broadcast %get3A_15 : vector<1x128xf32> to vector<10000x128xf32>
    %mul3A_36 = arith.mulf %mul3A_34, %mul3A_35 : vector<10000x128xf32>
    %add3A_37 = vector.broadcast %get3A_18 : vector<1x128xf32> to vector<10000x128xf32>
    %add3A_38 = arith.addf %mul3A_36, %add3A_37 : vector<10000x128xf32>
    %max3A = arith.constant 0.000000e+00 : f32
    %max3A_39 = vector.broadcast %max3A : f32 to vector<10000x128xf32>
    %max3A_40 = arith.maximumf %add3A_38, %max3A_39 : vector<10000x128xf32>
    %get3A_41 = arith.constant 0 : index
    %get3A_42 = arith.constant 0 : index
    %get3A_43 = vector.load %arg4[%get3A_41, %get3A_42] : memref<10000x128xf32, #tpu.memory_space<vmem>>, vector<10000x128xf32>
    %concatenate3A = tpu.concatenate %max3A_40, %get3A_43 in 1 : vector<10000x128xf32>, vector<10000x128xf32> -> vector<10000x256xf32>
    %swap3A = arith.constant 0 : index
    %swap3A_44 = arith.constant 0 : index
    %swap3A_45 = vector.load %arg5[%swap3A, %swap3A_44] : memref<10000x256xf32, #tpu.memory_space<vmem>>, vector<10000x256xf32>
    tpu.vector_store %arg5[%swap3A, %swap3A_44], %concatenate3A {strides = array<i32>} : memref<10000x256xf32, #tpu.memory_space<vmem>>, vector<10000x256xf32>,
    return
  }
}

</mosaic_0001>

<sc_bundles>
// kernel: kernel.10.cloned.1.call-start
scs
__scs_entry_jumppad:
0x0: {  	(pc) =	sbr.rel $0x88, $3  }
0x1: {  	(tag) =	ssettag $0x0;
	lr =	simm.s32 $0x1  }
0x2: {  	[smem:$0x3F97] =	sst lr;
	_ =	strace $0xD0000000  }
0x3: {  	_ = 	snop  }
0x4: {  	_ = 	snop  }
0x5: {  	_ = 	snop  }
0x6: {  	_ = 	snop  }
0x7: {  	_ = 	snop  }
__scs_overlays_trampoline_lowered:
0x8: {  	[smem:$0x3FA6] =	sst s0  }
0x9: {  	[smem:$0x3FA7] =	sst s1  }
0xa: {  	[smem:$0x3FA8] =	sst s2  }
0xb: {  	[smem:$0x3FA9] =	sst s3  }
0xc: {  	[smem:$0x3FAA] =	sst s4  }
0xd: {  	[smem:$0x3FAB] =	sst s5  }
0xe: {  	[smem:$0x3FAC] =	sst s6  }
0xf: {  	[smem:$0x3FAD] =	sst s7  }
0x10: {  	[smem:$0x3FAE] =	sst s8  }
0x11: {  	[smem:$0x3FAF] =	sst s9;
	s0 =	simm.s32 @!p0 $0x0  }
0x12: {  	s1 =	sld [smem:$0x3F95];
	s0 =	simm.s32 @p0 $0x1  }
0x13: {  	[smem:$0x3FB0] =	sst s0;
	s0 =	simm.s32 @!p1 $0x0  }
0x14: {  	s2 =	sld [smem:$0x3F94];
	s0 =	simm.s32 @p1 $0x1  }
0x15: {  	[smem:$0x3FB1] =	sst s0;
	s0 =	simm.s32 @!p2 $0x0  }
0x16: {  	s3 =	sld [smem:$0x3FDB];
	s0 =	simm.s32 @p2 $0x1  }
0x17: {  	s4 =	simm.s32 $0x1BF5;
	[smem:$0x3FB3] =	sst s0  }
0x18: {  	s0 =	sld [smem:$0x3F96];
	_ =	swait.ge [sflag:s4], $0x0  }
0x19: {  	s7 =	sld [smem:$0x3F97]  }
0x1a: {  	s8 =	sadd.s32 $0xFFFFE003, lr  }
0x1b: {  	s9 =	sadd.s32 $0xFFFFFEF7, lr;
	s5 =	simm.s32 $0xFFFFFFFF;
	p2 =	slt.u32 s8, $0xFFFFF086  }
0x1c: {  	p1 =	slt.u32 s9, $0xF7A;
	s5 =	simm.s32 @!p2 $0x0  }
0x1d: {  	s5 =	simm.s32 @p1 $0x1;
	p0 =	seq.s32 s7, s2  }
0x1e: {  	s7 =	smul.u32 @!p0 $0xF7A, s2;
	p2 =	seq.s32 @!p0 s5, $0x0  }
0x1f: {  	s9 =	smul.u32 $0xF7A, s1;
	s8 =	simm.s32 @!p0 $0x1BF5;
	p2 =	por !p2, p0  }
0x20: {  	[sflag:s8] =	ssyncset.s32 @!p0 $0xFFFFF086;
	s6 =	sadd.s32 @!p0 s3, s7;
	s7 =	simm.s32 @!p0 $0x108  }
0x21: {  	s3 =	sadd.s32 s3, s9;
	s6 =	sadd.s32 @!p0 $0x88, s6;
	s7 =	simm.s32 @p2 $0x1082  }
0x22: {  	[simem:s7], [sflag:s8] =	dma.local @!p0 [hbm:s6], $0xF7A  }
0x23: {  	s9 =	sor.u32 $0xD0000000, s2;
	s6 =	simm.s32 $0x108;
	_ =	swait.ge @!p0 [sflag:s8], $0x0  }
0x24: {  	s3 =	sadd.s32 $0x88, s3;
	s6 =	simm.s32 @!p1 $0x1082;
	[sflag:s4] =	ssyncset.s32 $0xFFFFF086  }
0x25: {  	[simem:s6], [sflag:s4] =	dma.local [hbm:s3], $0xF7A  }
0x26: {  	[smem:$0x3F97] =	sst s1;
	(tag) =	ssettag s2;
	_ =	strace s9  }
0x27: {  	s1 =	sld [smem:$0x3FA7]  }
0x28: {  	s2 =	sld [smem:$0x3FA8]  }
0x29: {  	s4 =	sld [smem:$0x3FAA]  }
0x2a: {  	p0 =	seq.s32 s5, $0x0;
	s5 =	sld [smem:$0x3FAB]  }
0x2b: {  	s6 =	sld [smem:$0x3FAC]  }
0x2c: {  	s7 =	sld [smem:$0x3FAD]  }
0x2d: {  	s3 =	simm.s32 $0x108;
	s8 =	sld [smem:$0x3FAE]  }
0x2e: {  	s3 =	simm.s32 @!p0 $0x1082;
	s9 =	sld [smem:$0x3FAF]  }
0x2f: {  	lr =	sadd.s32 s0, s3;
	s0 =	sld [smem:$0x3FA6]  }
0x30: {  	s3 =	sld [smem:$0x3FA9]  }
0x31: {  	[smem:$0x3FB2] =	sst s10  }
0x32: {  	s10 =	sld [smem:$0x3FB0];
	_ =	sdelay $0x3  }
0x33: {  	p0 =	seq.s32 s10, $0x1;
	s10 =	sld [smem:$0x3FB2];
	_ =	sdelay $0x3  }
0x34: {  	[smem:$0x3FB2] =	sst s10  }
0x35: {  	s10 =	sld [smem:$0x3FB1];
	_ =	sdelay $0x3  }
0x36: {  	p1 =	seq.s32 s10, $0x1;
	s10 =	sld [smem:$0x3FB2];
	_ =	sdelay $0x3  }
0x37: {  	[smem:$0x3FB2] =	sst s10  }
0x38: {  	s10 =	sld [smem:$0x3FB3]  }
0x39: {  	_ = 	snop;
	(pc) =	sbr.ind lr, $3  }
0x3a: {  	_ = 	snop  }
0x3b: {  	_ = 	snop  }
0x3c: {  	p2 =	seq.s32 s10, $0x1;
	s10 =	sld [smem:$0x3FB2]  }
0x3d: {  	_ =	shalt  }
0x3e: {  	_ =	shalt  }
0x3f: {  	_ =	shalt  }
0x40: {  	_ =	shalt  }
0x41: {  	_ =	shalt  }
0x42: {  	_ =	shalt  }
0x43: {  	_ =	shalt  }
0x44: {  	_ =	shalt  }
0x45: {  	_ =	shalt  }
0x46: {  	_ =	shalt  }
0x47: {  	_ =	shalt  }
0x48: {  	_ =	shalt  }
0x49: {  	_ =	shalt  }
0x4a: {  	_ =	shalt  }
0x4b: {  	_ =	shalt  }
0x4c: {  	_ =	shalt  }
0x4d: {  	_ =	shalt  }
0x4e: {  	_ =	shalt  }
0x4f: {  	_ =	shalt  }
0x50: {  	_ =	shalt  }
0x51: {  	_ =	shalt  }
0x52: {  	_ =	shalt  }
0x53: {  	_ =	shalt  }
0x54: {  	_ =	shalt  }
0x55: {  	_ =	shalt  }
0x56: {  	_ =	shalt  }
0x57: {  	_ =	shalt  }
0x58: {  	_ =	shalt  }
0x59: {  	_ =	shalt  }
0x5a: {  	_ =	shalt  }
0x5b: {  	_ =	shalt  }
0x5c: {  	_ =	shalt  }
0x5d: {  	_ =	shalt  }
0x5e: {  	_ =	shalt  }
0x5f: {  	_ =	shalt  }
0x60: {  	_ =	shalt  }
0x61: {  	_ =	shalt  }
0x62: {  	_ =	shalt  }
0x63: {  	_ =	shalt  }
0x64: {  	_ =	shalt  }
0x65: {  	_ =	shalt  }
0x66: {  	_ =	shalt  }
0x67: {  	_ =	shalt  }
0x68: {  	_ =	shalt  }
0x69: {  	_ =	shalt  }
0x6a: {  	_ =	shalt  }
0x6b: {  	_ =	shalt  }
0x6c: {  	_ =	shalt  }
0x6d: {  	_ =	shalt  }
0x6e: {  	_ =	shalt  }
0x6f: {  	_ =	shalt  }
0x70: {  	_ =	shalt  }
0x71: {  	_ =	shalt  }
0x72: {  	_ =	shalt  }
0x73: {  	_ =	shalt  }
0x74: {  	_ =	shalt  }
0x75: {  	_ =	shalt  }
0x76: {  	_ =	shalt  }
0x77: {  	_ =	shalt  }
0x78: {  	_ =	shalt  }
0x79: {  	_ =	shalt  }
0x7a: {  	_ =	shalt  }
0x7b: {  	_ =	shalt  }
0x7c: {  	_ =	shalt  }
0x7d: {  	_ =	shalt  }
0x7e: {  	_ =	shalt  }
0x7f: {  	_ =	shalt  }
0x80: {  	_ =	shalt  }
0x81: {  	_ =	shalt  }
0x82: {  	_ =	shalt  }
0x83: {  	_ =	shalt  }
0x84: {  	_ =	shalt  }
0x85: {  	_ =	shalt  }
0x86: {  	_ =	shalt  }
0x87: {  	_ =	shalt  }
.Lfunc_end0:
.L_simem_size_0:
called_computation.1_lowered:
.L_overlay_start_0:
0x88: {  	s2 =	sld [smem:$0x3FD9]  }
0x89: {  	s3 =	sld [smem:$0x3FFE];
	_ =	sdelay $0x1  }
0x8a: {  	s1 =	srdreg.scid  }
0x8b: {  	s0 =	sand.u32 $0x1, s1  }
0x8c: {  	s17 =	sshll.u32 s0, $0xA;
	s2 =	sadd.s32 s3, s2  }
0x8d: {  	s2 =	sadd.s32 s2, s17  }
0x8e: {  	[smem:$0x3FBE] =	sst s2  }
0x8f: {  	_ = 	snop  }
0x90: {  	s2 =	sld [smem:$0x3FD0];
	(tm) =	ssettm $0x1  }
0x91: {  	s18 =	sld [smem:$0x3FFB];
	_ =	sdelay $0x3  }
0x92: {  	_ =	strace s18  }
0x93: {  	s3 =	sld [smem:$0x3FFC];
	_ =	sdelay $0x3  }
0x94: {  	_ =	strace s3  }
0x95: {  	s3 =	sld [smem:$0x3FFD];
	_ =	sdelay $0x3  }
0x96: {  	_ =	strace s3  }
0x97: {  	_ =	strace $0x8FFFFFFF  }
0x98: {  	s19 =	sld [smem:$0x3FDB];
	_ =	sdelay $0x1  }
0x99: {  	s4 =	simm.s32 $_scs_section_size  }
0x9a: {  	s5 =	simm.s32 $_size__tile_overlayer_lowered;
	s6 =	simm.s32 $_tile_overlayer_lowered  }
0x9b: {  	s22 =	simm.s32 $0x1BFF;
	s21 =	sshll.u32 s6, $0x1;
	s3 =	sadd.s32 s4, s19  }
0x9c: {  	s7 =	simm.s32 $0x0;
	s20 =	sshll.u32 s5, $0x1;
	s5 =	sadd.s32 s21, s3  }
0x9d: {  	[timem:s7], [sflag:s22] =	dma.local [hbm:s5], s20  }
0x9e: {  	_ =	swait.ge [sflag:s22], s20  }
0x9f: {  	s4 =	ssub.s32 $0x0, s20;
	[sflag:s22] =	ssyncset.done $0x0  }
0xa0: {  	[sflag:s22] =	ssyncadd.s32 s4;
	_ =	sdelay $0x1  }
0xa1: {  	s23 =	simm.s32 $0x1B8B  }
0xa2: {  	_ =	swait.ge [sflag:s23], $0x1  }
0xa3: {  	[sflag:s23] =	ssyncset.done $0x0  }
0xa4: {  	s25 =	simm.s32 $0x1B8E;
	s24 =	sld [smem:$0x3FFE];
	[sflag:s23] =	ssyncadd.s32 $0xFFFFFFFF  }
0xa5: {  	s26 =	simm.s32 $execute0_lowered;
	[smem:$0x3FD2] =	sst s25  }
0xa6: {  	s5 =	sshll.u32 s26, $0x1;
	_ =	strace $0x80000049;
	[dreg:$0x1] =	wrdreg $0xFFFFFFFF  }
0xa7: {  	s28 =	simm.s32 $_size_execute0_lowered;
	s3 =	sadd.s32 s3, s5;
	[dreg:$0x0] =	wrdreg $0x0  }
0xa8: {  	s5 =	sshll.u32 s28, $0x1;
	[dreg:$0x2] =	wrdreg s3  }
0xa9: {  	[dreg:$0x3] =	wrdreg s5  }
0xaa: {  	[dreg:$0x4] =	wrdreg $0xC0  }
0xab: {  	_ =	task [dreg:s7], $0x5FFFF  }
0xac: {  	[dreg:$0x1] =	wrdreg $0xFFFFFFFF  }
0xad: {  	[dreg:$0x0] =	wrdreg $0x60  }
0xae: {  	[dreg:$0x2] =	wrdreg s24  }
0xaf: {  	[dreg:$0x3] =	wrdreg s2  }
0xb0: {  	[dreg:$0x4] =	wrdreg $0xC0000  }
0xb1: {  	[dreg:$0x5] =	wrdreg $0x9  }
0xb2: {  	_ =	task.clear_ibuf [dreg:s7], $0x6FFFF;
	_ =	strace $0x90000049  }
0xb3: {  	s29 =	simm.s32 $0x9;
	_ =	strace $0x8000004B  }
0xb4: {  	_ =	swait.ge [sflag:s29], $0x1  }
0xb5: {  	[sflag:s29] =	ssyncadd.s32 $0xFFFFFFFF  }
0xb6: {  	_ =	strace $0x9000004B  }
0xb7: {  	_ =	sfence  }
0xb8: {  	s30 =	sld [smem:$0x0];
	_ =	sdelay $0x2  }
0xb9: {  	s31 =	sshll.u32 s1, $0xD;
	s1 =	sshrl.u32 s1, $0x2  }
0xba: {  	s3 =	sand.u32 $0x4000, s31;
	s1 =	sadd.s32 s1, s30  }
0xbb: {  	s0 =	sor.u32 s3, s0;
	s1 =	sshll.u32 s1, $0x11  }
0xbc: {  	s0 =	sor.u32 s1, s0  }
0xbd: {  	s0 =	sadd.s32 $0x8F2B, s0  }
0xbe: {  	[sflag:s0] =	ssyncadd.remote.s32 $0x1  }
0xbf: {  	_ =	sfence.sel $0xFFFF  }
0xc0: {  	[dreg:$0x0] =	wrdreg $0xFFFFFFFF;
	(pc) =	sbr.abs _section_cstart, $3  }
0xc1: {  	[dreg:$0x1] =	wrdreg $0xFFFFFFFF  }
0xc2: {  	_ =	task.clear_ibuf [dreg:s7], $0x2FFFF;
	_ =	strace $0x9FFFFFFF  }
0xc3: {  	(tm) =	ssettm $0x7FFFFFFF  }
tec
execute0_lowered:
.L_overlay_start_1:
0x0: {  	(tag) =	ssettag $0x1  }
0x1: {  	s0 =	srdreg.scid;
	s1 =	rddreg [dreg:$0x0]  }
0x2: {  	s14 =	stileid.u32;
	s8 =	rddreg [dreg:$0x1]  }
0x3: {  	s3 =	simm.s32 $0x0;
	s17 =	simm.s32 $0x40;
	s18 =	simm.s32 $0x4000  }
0x4: {  	s19 =	simm.s32 $0x6000;
	s20 =	simm.s32 $0x1;
	s21 =	simm.s32 $0x8000  }
0x5: {  	s22 =	simm.s32 $0x2;
	s23 =	simm.s32 $0xA000;
	s24 =	simm.s32 $0x3  }
0x6: {  	s25 =	simm.s32 $0x4;
	s26 =	simm.s32 $0x0;
	s9 =	smul.u32 $0x13C00, s14  }
0x7: {  	s0 =	sand.u32 $0x1, s0;
	s2 =	sshll.u32 s14, $0x1;
	s28 =	smul.u32 $0x4F000, s14  }
0x8: {  	[smem:$0x7FF] =	sst s3;
	s4 =	sadd.s32 $0x20400, s1;
	s30 =	smul.u32 $0x1400, s14  }
0x9: {  	s10 =	sadd.s32 $0xC400, s1;
	s31 =	sshll.u32 s14, $0x6;
	s7 =	smul.u32 $0x13C000, s0  }
0xa: {  	s5 =	sor.u32 s0, s2;
	s11 =	ssub.s32 $0x2, s0;
	s0 =	smul.u32 $0xA00, s0  }
0xb: {  	s2 =	rddreg [dreg:$0x2];
	_ =	strace $0x8000004A;
	s6 =	smul.u32 $0x500, s5  }
0xc: {  	s15 =	sor.u32 $0x1C06, s31;
	s12 =	sshrl.u32 s11, $0x1;
	s13 =	smul.u32 $0xA00, s5  }
0xd: {  	s7 =	sadd.s32 s9, s7;
	s11 =	ssub.s32 s11, s12;
	s12 =	sshrl.u32 s28, $0x2  }
0xe: {  	s9 =	sshrl.u32 s9, $0x3;
	s6 =	sadd.s32 s6, s1;
	s7 =	sshrl.u32 s7, $0x3  }
.Ltmp0:
0xf: {  	s16 =	sadd.s32 s12, s2;
	s8 =	sadd.s32 s8, s9;
	(pc) =	sbr.rel .LBB2_1-.Ltmp0, $4  }
0x10: {  	s12 =	simm.s32 $0x6;
	s1 =	sadd.s32 s7, s1;
	s29 =	sadd.s32 $0x2400, s6  }
0x11: {  	s6 =	sadd.s32 s10, s13;
	s10 =	sadd.s32 s30, s10;
	s16 =	sshrl.u32 s16, $0x3  }
0x12: {  	[dreg:$0x4] =	wrdreg s29;
	s7 =	sadd.s32 $0x100, s6;
	s0 =	sadd.s32 s0, s10  }
0x13: {  	s9 =	sadd.s32 $0x47600, s1;
	s10 =	smax.u32 s11, $0x1;
	s11 =	sadd.s32 $0x100, s0  }
.LBB2_4:
0x14: {  	_ =	swait.ge [sflag:s25], $0x2000  }
0x15: {  	[sflag:s25] =	ssyncset.done $0x0  }
0x16: {  	s0 =	sadd.s32 $0x2F80, s0;
	[sflag:s25] =	ssyncadd.s32 $0xFFFFE000  }
0x17: {  	[spmem:s2] =	stream.indirect.scatter.add.f32 [tilespmem:s23], [sflag:$0x4], $0x80, s0, s17, $0xb8;
	[tilespmem:$0x1FC00] =	vst v63  }
0x18: {  	_ =	swait.ge [sflag:s22], $0x2000  }
0x19: {  	[sflag:s22] =	ssyncset.done $0x0  }
0x1a: {  	[sflag:s22] =	ssyncadd.s32 $0xFFFFE000  }
0x1b: {  	_ =	swait.ge [sflag:s24], $0x2000  }
0x1c: {  	[sflag:s24] =	ssyncset.done $0x0  }
0x1d: {  	[sflag:s24] =	ssyncadd.s32 $0xFFFFE000  }
0x1e: {  	_ =	swait.ge [sflag:s25], $0x2000  }
0x1f: {  	s26 =	sadd.s32 $0x1, s26;
	[sflag:s25] =	ssyncset.done $0x0  }
0x20: {  	p0 =	sne.s32 s26, s10;
	[sflag:s25] =	ssyncadd.s32 $0xFFFFE000  }
.Ltmp1:
0x21: {  	[bflag:$0x0] =	sbarrier.arrive $0xFFFF;
	(pc) =	sbr.rel @!p0 .LBB2_5-.Ltmp1, $4  }
0x22: {  	[hbm:s9], [sflag:s15] =	dma.local [spmem:s16], $0x2780  }
0x23: {  	_ =	swait.ge [sflag:s12], $0x2780  }
0x24: {  	[sflag:s12] =	ssyncset.done $0x0  }
0x25: {  	[sflag:s12] =	ssyncadd.s32 $0xFFFFD880  }
.LBB2_1:
0x26: {  	s0 =	rddreg [dreg:$0x4]  }
0x27: {  	[tilespmem:s3], [sflag:$0x6] =	stream.linear.gather [hbm4b:s0+s3], $0x2800, $0x38;
	[tilespmem:$0x1FC00] =	vst v63  }
0x28: {  	_ =	swait.ge [sflag:s12], $0x2800  }
0x29: {  	[sflag:s12] =	ssyncset.done $0x0  }
0x2a: {  	s13 =	simm.s32 $0x2800;
	[sflag:s12] =	ssyncadd.s32 $0xFFFFD800  }
0x2b: {  	[tilespmem:s13], [sflag:$0x6] =	stream.linear.gather [hbm4b:s6+s3], $0x800, $0x38;
	[tilespmem:$0x1FC00] =	vst v63  }
0x2c: {  	_ =	swait.ge [sflag:s12], $0x800  }
0x2d: {  	[sflag:s12] =	ssyncset.done $0x0  }
0x2e: {  	s14 =	simm.s32 $0x3000;
	[sflag:s12] =	ssyncadd.s32 $0xFFFFF800  }
0x2f: {  	[tilespmem:s14], [sflag:$0x5] =	stream.linear.gather [hbm4b:s7+s3], $0x800, $0x38;
	[tilespmem:$0x1FC00] =	vst v63  }
0x30: {  	[spmem:s16], [sflag:s15] =	dma.local [hbm:s8], $0x2780  }
0x31: {  	_ =	swait.ge [sflag:s12], $0x2780  }
0x32: {  	[sflag:s12] =	ssyncset.done $0x0  }
0x33: {  	[sflag:s12] =	ssyncadd.s32 $0xFFFFD880  }
0x34: {  	s28 =	simm.s32 $0x600;
	[bflag:$0x0] =	sbarrier.arrive $0xFFFF  }
0x35: {  	[tilespmem:s18], [sflag:$0x1] =	stream.indirect.gather [hbm4b:s4+s17], $0x80, s3, s17, $0xb8;
	[tilespmem:$0x1FC00] =	vst v63  }
0x36: {  	s29 =	smov.u32 s11;
	s30 =	simm.s32 $0x0;
	s31 =	simm.s32 $0x0  }
0x37: {  	[tilespmem:s19], [sflag:$0x2] =	stream.indirect.gather [hbm4b:s4+s17], $0x80, s17, s17, $0xb8;
	[tilespmem:$0x1FC00] =	vst v63  }
.LBB2_2:
0x38: {  	s0 =	sand.u32 $0x3, s31;
	p0 =	seq.s32 s30, $0x0  }
0x39: {  	p1 =	sne.s32 @!p0 s0, $0x0  }
0x3a: {  	p2 =	por p1, p0  }
0x3b: {  	p3 =	sgt.u32 @!p2 s31, $0x23  }
0x3c: {  	p1 =	por @!p0 p3, p1  }
0x3d: {  	p1 =	por p1, p0  }
0x3e: {  	s0 =	sshrl.u32 @!p1 s31, $0x2  }
0x3f: {  	s0 =	sadd.s32 @!p1 $0x1, s0  }
0x40: {  	s1 =	sand.u32 @!p1 $0xFF, s0  }
0x41: {  	s1 =	smul.u32 @!p1 $0xAB, s1  }
0x42: {  	s13 =	sshrl.u32 s31, $0x2  }
0x43: {  	s5 =	smul.u32 $0xAB, s13;
	s1 =	sshrl.u32 @!p1 s1, $0x9  }
0x44: {  	s1 =	smul.u32 @!p1 $0x3, s1  }
0x45: {  	s14 =	simm.s32 @!p2 $0x5;
	s5 =	sshrl.u32 s5, $0x9  }
0x46: {  	_ =	swait.ge @!p2 [sflag:s14], $0x800;
	s0 =	ssub.s32 @!p1 s0, s1;
	s1 =	sand.u32 $0x7F, s5  }
0x47: {  	[sflag:s14] =	ssyncset.done @!p2 $0x0;
	s0 =	sand.u32 @!p1 $0xFF, s0;
	s1 =	smul.u32 $0x3, s1  }
0x48: {  	[sflag:s14] =	ssyncadd.s32 @!p2 $0xFFFFF800;
	s0 =	sshll.u32 @!p1 s0, $0xB  }
0x49: {  	s5 =	simm.s32 @!p1 $0x0;
	s0 =	sadd.s32 @!p1 $0x2800, s0;
	s1 =	ssub.s32 s13, s1  }
0x4a: {  	[tilespmem:s0], [sflag:$0x5] =	stream.linear.gather @!p1 [hbm4b:s29+s5], $0x800, $0x38;
	[tilespmem:$0x1FC00] =	vst v63  }
0x4b: {  	s0 =	sand.u32 $0xFF, s1;
	s5 =	sadd.s32 $0xFFFFFA00, s28  }
0x4c: {  	_ =	swait.ge [sflag:s20], $0x2000;
	s0 =	sshll.u32 s0, $0xB;
	s13 =	sand.u32 $0x1800, s5  }
0x4d: {  	[sflag:s20] =	ssyncset.done $0x0;
	s1 =	sadd.s32 $0x2800, s0;
	s5 =	sshrl.u32 s13, $0x2  }
0x4e: {  	s14 =	simm.s32 @!p0 $0x3;
	[sflag:s20] =	ssyncadd.s32 $0xFFFFE000;
	s5 =	sor.u32 s5, s1  }
0x4f: {  	[spmem:s2] =	stream.indirect.scatter.add.f32 [tilespmem:s18], [sflag:$0x1], $0x80, s5, s17, $0xb8;
	[tilespmem:$0x1FC00] =	vst v63  }
0x50: {  	_ =	swait.ge @!p0 [sflag:s14], $0x2000  }
0x51: {  	s13 =	sshra.s32 s30, $0x2;
	[sflag:s14] =	ssyncset.done @!p0 $0x0  }
0x52: {  	[sflag:s14] =	ssyncadd.s32 @!p0 $0xFFFFE000;
	s14 =	sadd.s32 $0x80, s13  }
0x53: {  	[tilespmem:s21], [sflag:$0x3] =	stream.indirect.gather [hbm4b:s4+s17], $0x80, s14, s17, $0xb8;
	[tilespmem:$0x1FC00] =	vst v63  }
0x54: {  	_ =	swait.ge [sflag:s22], $0x2000  }
0x55: {  	[sflag:s22] =	ssyncset.done $0x0  }
0x56: {  	s5 =	sadd.s32 $0x80, s5;
	[sflag:s22] =	ssyncadd.s32 $0xFFFFE000  }
0x57: {  	[spmem:s2] =	stream.indirect.scatter.add.f32 [tilespmem:s19], [sflag:$0x2], $0x80, s5, s17, $0xb8;
	[tilespmem:$0x1FC00] =	vst v63  }
0x58: {  	s5 =	simm.s32 @!p0 $0x4  }
0x59: {  	_ =	swait.ge @!p0 [sflag:s5], $0x2000  }
0x5a: {  	[sflag:s5] =	ssyncset.done @!p0 $0x0  }
0x5b: {  	s14 =	sadd.s32 $0xC0, s13;
	[sflag:s5] =	ssyncadd.s32 @!p0 $0xFFFFE000  }
0x5c: {  	[tilespmem:s23], [sflag:$0x4] =	stream.indirect.gather [hbm4b:s4+s17], $0x80, s14, s17, $0xb8;
	[tilespmem:$0x1FC00] =	vst v63  }
0x5d: {  	s14 =	sadd.s32 $0xFFFFFE00, s28  }
0x5e: {  	_ =	swait.ge [sflag:s24], $0x2000;
	s5 =	sand.u32 $0x1C00, s14  }
0x5f: {  	p0 =	seq.s32 s30, $0x9C00;
	[sflag:s24] =	ssyncset.done $0x0;
	s5 =	sshrl.u32 s5, $0x2  }
.Ltmp2:
0x60: {  	[sflag:s24] =	ssyncadd.s32 $0xFFFFE000;
	s5 =	sadd.s32 s5, s1;
	(pc) =	sbr.rel @p0 .LBB2_4-.Ltmp2, $4  }
0x61: {  	[spmem:s2] =	stream.indirect.scatter.add.f32 [tilespmem:s21], [sflag:$0x3], $0x80, s5, s17, $0xb8;
	[tilespmem:$0x1FC00] =	vst v63  }
0x62: {  	_ =	swait.ge [sflag:s20], $0x2000  }
0x63: {  	[sflag:s20] =	ssyncset.done $0x0  }
0x64: {  	[sflag:s20] =	ssyncadd.s32 $0xFFFFE000  }
0x65: {  	s0 =	sadd.s32 $0x100, s13  }
0x66: {  	[tilespmem:s18], [sflag:$0x1] =	stream.indirect.gather [hbm4b:s4+s17], $0x80, s0, s17, $0xb8;
	[tilespmem:$0x1FC00] =	vst v63  }
0x67: {  	s5 =	sand.u32 $0x1E00, s28;
	_ =	swait.ge [sflag:s25], $0x2000  }
0x68: {  	s0 =	sshrl.u32 s5, $0x2;
	[sflag:s25] =	ssyncset.done $0x0  }
0x69: {  	s0 =	sadd.s32 s0, s1;
	[sflag:s25] =	ssyncadd.s32 $0xFFFFE000  }
0x6a: {  	[spmem:s2] =	stream.indirect.scatter.add.f32 [tilespmem:s23], [sflag:$0x4], $0x80, s0, s17, $0xb8;
	[tilespmem:$0x1FC00] =	vst v63  }
.Ltmp3:
0x6b: {  	_ = 	snop;
	(pc) =	sbr.rel .LBB2_2-.Ltmp3, $4  }
0x6c: {  	s14 =	sadd.s32 $0x140, s13;
	_ =	swait.ge [sflag:s22], $0x2000  }
0x6d: {  	s31 =	sadd.s32 $0x1, s31;
	s30 =	sadd.s32 $0x400, s30;
	[sflag:s22] =	ssyncset.done $0x0  }
0x6e: {  	s28 =	sadd.s32 $0x800, s28;
	s29 =	sadd.s32 $0x40, s29;
	[sflag:s22] =	ssyncadd.s32 $0xFFFFE000  }
0x6f: {  	[tilespmem:s19], [sflag:$0x2] =	stream.indirect.gather [hbm4b:s4+s17], $0x80, s14, s17, $0xb8;
	[tilespmem:$0x1FC00] =	vst v63  }
.LBB2_5:
0x70: {  	_ =	sfence.sel $0x180000  }
0x71: {  	[bflag:$0x0] =	sbarrier.arrive $0xFFFF  }
0x72: {  	_ =	strace $0x9000004A  }
0x73: {  	s0 =	stileid.u32;
	[bflag:$0x2] =	sbarrier.arrive $0xFFFF  }
0x74: {  	p0 =	sne.s32 s0, $0x0;
	s0 =	rddreg [dreg:$0x3]  }
0x75: {  	s0 =	sadd.s32 @!p0 $0x100000, s0  }
0x76: {  	[sflag:s0] =	ssyncadd.tile.s32 @!p0 $0x1;
	_ =	shalt  }
.Lfunc_end2:
_tile_overlayer_lowered:
.L_overlay_start_2:
0x77: {  	(tag) =	ssettag $0x2  }
0x78: {  	s0 =	rddreg [dreg:$0x0];
	s2 =	stileid.u32  }
0x79: {  	s1 =	rddreg [dreg:$0x1];
	p0 =	sne.s32 s2, $0x0  }
0x7a: {  	s3 =	rddreg [dreg:$0x2];
	[bflag:$0x3] =	sbarrier.arrive $0xFFFF;
	s2 =	simm.s32 @!p0 $0x1C06  }
0x7b: {  	[timem:s3], [sflag:s2] =	dma.local @!p0 [hbm:s0], s1  }
0x7c: {  	s0 =	simm.s32 @!p0 $0x6  }
0x7d: {  	_ =	swait.ge @!p0 [sflag:s0], s1  }
0x7e: {  	s1 =	ssub.s32 @!p0 $0x0, s1;
	[sflag:s0] =	ssyncset.done @!p0 $0x0  }
0x7f: {  	[sflag:s0] =	ssyncadd.s32 @!p0 s1  }
0x80: {  	[bflag:$0x3] =	sbarrier.arrive $0xFFFF  }
0x81: {  	_ =	shalt  }

// kernel: kernel.7.cloned.1.call-start
scs
__scs_entry_jumppad:
0x0: {  	(pc) =	sbr.rel $0x88, $3  }
0x1: {  	(tag) =	ssettag $0x0;
	lr =	simm.s32 $0x1  }
0x2: {  	[smem:$0x3F97] =	sst lr;
	_ =	strace $0xD0000000  }
0x3: {  	_ = 	snop  }
0x4: {  	_ = 	snop  }
0x5: {  	_ = 	snop  }
0x6: {  	_ = 	snop  }
0x7: {  	_ = 	snop  }
__scs_overlays_trampoline_lowered:
0x8: {  	[smem:$0x3FA6] =	sst s0  }
0x9: {  	[smem:$0x3FA7] =	sst s1  }
0xa: {  	[smem:$0x3FA8] =	sst s2  }
0xb: {  	[smem:$0x3FA9] =	sst s3  }
0xc: {  	[smem:$0x3FAA] =	sst s4  }
0xd: {  	[smem:$0x3FAB] =	sst s5  }
0xe: {  	[smem:$0x3FAC] =	sst s6  }
0xf: {  	[smem:$0x3FAD] =	sst s7  }
0x10: {  	[smem:$0x3FAE] =	sst s8  }
0x11: {  	[smem:$0x3FAF] =	sst s9;
	s0 =	simm.s32 @!p0 $0x0  }
0x12: {  	s1 =	sld [smem:$0x3F95];
	s0 =	simm.s32 @p0 $0x1  }
0x13: {  	[smem:$0x3FB0] =	sst s0;
	s0 =	simm.s32 @!p1 $0x0  }
0x14: {  	s2 =	sld [smem:$0x3F94];
	s0 =	simm.s32 @p1 $0x1  }
0x15: {  	[smem:$0x3FB1] =	sst s0;
	s0 =	simm.s32 @!p2 $0x0  }
0x16: {  	s3 =	sld [smem:$0x3FDB];
	s0 =	simm.s32 @p2 $0x1  }
0x17: {  	s4 =	simm.s32 $0x1BF5;
	[smem:$0x3FB3] =	sst s0  }
0x18: {  	s0 =	sld [smem:$0x3F96];
	_ =	swait.ge [sflag:s4], $0x0  }
0x19: {  	s7 =	sld [smem:$0x3F97]  }
0x1a: {  	s8 =	sadd.s32 $0xFFFFE003, lr  }
0x1b: {  	s9 =	sadd.s32 $0xFFFFFEF7, lr;
	s5 =	simm.s32 $0xFFFFFFFF;
	p2 =	slt.u32 s8, $0xFFFFF086  }
0x1c: {  	p1 =	slt.u32 s9, $0xF7A;
	s5 =	simm.s32 @!p2 $0x0  }
0x1d: {  	s5 =	simm.s32 @p1 $0x1;
	p0 =	seq.s32 s7, s2  }
0x1e: {  	s7 =	smul.u32 @!p0 $0xF7A, s2;
	p2 =	seq.s32 @!p0 s5, $0x0  }
0x1f: {  	s9 =	smul.u32 $0xF7A, s1;
	s8 =	simm.s32 @!p0 $0x1BF5;
	p2 =	por !p2, p0  }
0x20: {  	[sflag:s8] =	ssyncset.s32 @!p0 $0xFFFFF086;
	s6 =	sadd.s32 @!p0 s3, s7;
	s7 =	simm.s32 @!p0 $0x108  }
0x21: {  	s3 =	sadd.s32 s3, s9;
	s6 =	sadd.s32 @!p0 $0x88, s6;
	s7 =	simm.s32 @p2 $0x1082  }
0x22: {  	[simem:s7], [sflag:s8] =	dma.local @!p0 [hbm:s6], $0xF7A  }
0x23: {  	s9 =	sor.u32 $0xD0000000, s2;
	s6 =	simm.s32 $0x108;
	_ =	swait.ge @!p0 [sflag:s8], $0x0  }
0x24: {  	s3 =	sadd.s32 $0x88, s3;
	s6 =	simm.s32 @!p1 $0x1082;
	[sflag:s4] =	ssyncset.s32 $0xFFFFF086  }
0x25: {  	[simem:s6], [sflag:s4] =	dma.local [hbm:s3], $0xF7A  }
0x26: {  	[smem:$0x3F97] =	sst s1;
	(tag) =	ssettag s2;
	_ =	strace s9  }
0x27: {  	s1 =	sld [smem:$0x3FA7]  }
0x28: {  	s2 =	sld [smem:$0x3FA8]  }
0x29: {  	s4 =	sld [smem:$0x3FAA]  }
0x2a: {  	p0 =	seq.s32 s5, $0x0;
	s5 =	sld [smem:$0x3FAB]  }
0x2b: {  	s6 =	sld [smem:$0x3FAC]  }
0x2c: {  	s7 =	sld [smem:$0x3FAD]  }
0x2d: {  	s3 =	simm.s32 $0x108;
	s8 =	sld [smem:$0x3FAE]  }
0x2e: {  	s3 =	simm.s32 @!p0 $0x1082;
	s9 =	sld [smem:$0x3FAF]  }
0x2f: {  	lr =	sadd.s32 s0, s3;
	s0 =	sld [smem:$0x3FA6]  }
0x30: {  	s3 =	sld [smem:$0x3FA9]  }
0x31: {  	[smem:$0x3FB2] =	sst s10  }
0x32: {  	s10 =	sld [smem:$0x3FB0];
	_ =	sdelay $0x3  }
0x33: {  	p0 =	seq.s32 s10, $0x1;
	s10 =	sld [smem:$0x3FB2];
	_ =	sdelay $0x3  }
0x34: {  	[smem:$0x3FB2] =	sst s10  }
0x35: {  	s10 =	sld [smem:$0x3FB1];
	_ =	sdelay $0x3  }
0x36: {  	p1 =	seq.s32 s10, $0x1;
	s10 =	sld [smem:$0x3FB2];
	_ =	sdelay $0x3  }
0x37: {  	[smem:$0x3FB2] =	sst s10  }
0x38: {  	s10 =	sld [smem:$0x3FB3]  }
0x39: {  	_ = 	snop;
	(pc) =	sbr.ind lr, $3  }
0x3a: {  	_ = 	snop  }
0x3b: {  	_ = 	snop  }
0x3c: {  	p2 =	seq.s32 s10, $0x1;
	s10 =	sld [smem:$0x3FB2]  }
0x3d: {  	_ =	shalt  }
0x3e: {  	_ =	shalt  }
0x3f: {  	_ =	shalt  }
0x40: {  	_ =	shalt  }
0x41: {  	_ =	shalt  }
0x42: {  	_ =	shalt  }
0x43: {  	_ =	shalt  }
0x44: {  	_ =	shalt  }
0x45: {  	_ =	shalt  }
0x46: {  	_ =	shalt  }
0x47: {  	_ =	shalt  }
0x48: {  	_ =	shalt  }
0x49: {  	_ =	shalt  }
0x4a: {  	_ =	shalt  }
0x4b: {  	_ =	shalt  }
0x4c: {  	_ =	shalt  }
0x4d: {  	_ =	shalt  }
0x4e: {  	_ =	shalt  }
0x4f: {  	_ =	shalt  }
0x50: {  	_ =	shalt  }
0x51: {  	_ =	shalt  }
0x52: {  	_ =	shalt  }
0x53: {  	_ =	shalt  }
0x54: {  	_ =	shalt  }
0x55: {  	_ =	shalt  }
0x56: {  	_ =	shalt  }
0x57: {  	_ =	shalt  }
0x58: {  	_ =	shalt  }
0x59: {  	_ =	shalt  }
0x5a: {  	_ =	shalt  }
0x5b: {  	_ =	shalt  }
0x5c: {  	_ =	shalt  }
0x5d: {  	_ =	shalt  }
0x5e: {  	_ =	shalt  }
0x5f: {  	_ =	shalt  }
0x60: {  	_ =	shalt  }
0x61: {  	_ =	shalt  }
0x62: {  	_ =	shalt  }
0x63: {  	_ =	shalt  }
0x64: {  	_ =	shalt  }
0x65: {  	_ =	shalt  }
0x66: {  	_ =	shalt  }
0x67: {  	_ =	shalt  }
0x68: {  	_ =	shalt  }
0x69: {  	_ =	shalt  }
0x6a: {  	_ =	shalt  }
0x6b: {  	_ =	shalt  }
0x6c: {  	_ =	shalt  }
0x6d: {  	_ =	shalt  }
0x6e: {  	_ =	shalt  }
0x6f: {  	_ =	shalt  }
0x70: {  	_ =	shalt  }
0x71: {  	_ =	shalt  }
0x72: {  	_ =	shalt  }
0x73: {  	_ =	shalt  }
0x74: {  	_ =	shalt  }
0x75: {  	_ =	shalt  }
0x76: {  	_ =	shalt  }
0x77: {  	_ =	shalt  }
0x78: {  	_ =	shalt  }
0x79: {  	_ =	shalt  }
0x7a: {  	_ =	shalt  }
0x7b: {  	_ =	shalt  }
0x7c: {  	_ =	shalt  }
0x7d: {  	_ =	shalt  }
0x7e: {  	_ =	shalt  }
0x7f: {  	_ =	shalt  }
0x80: {  	_ =	shalt  }
0x81: {  	_ =	shalt  }
0x82: {  	_ =	shalt  }
0x83: {  	_ =	shalt  }
0x84: {  	_ =	shalt  }
0x85: {  	_ =	shalt  }
0x86: {  	_ =	shalt  }
0x87: {  	_ =	shalt  }
.Lfunc_end0:
.L_simem_size_0:
called_computation_lowered:
.L_overlay_start_0:
0x88: {  	s2 =	sld [smem:$0x3FD9]  }
0x89: {  	s3 =	sld [smem:$0x3FFE];
	_ =	sdelay $0x1  }
0x8a: {  	s1 =	srdreg.scid  }
0x8b: {  	s0 =	sand.u32 $0x1, s1  }
0x8c: {  	s17 =	sshll.u32 s0, $0xA;
	s2 =	sadd.s32 s3, s2  }
0x8d: {  	s2 =	sadd.s32 s2, s17  }
0x8e: {  	[smem:$0x3FBE] =	sst s2  }
0x8f: {  	_ = 	snop  }
0x90: {  	s2 =	sld [smem:$0x3FD0];
	(tm) =	ssettm $0x1  }
0x91: {  	s18 =	sld [smem:$0x3FFB];
	_ =	sdelay $0x3  }
0x92: {  	_ =	strace s18  }
0x93: {  	s3 =	sld [smem:$0x3FFC];
	_ =	sdelay $0x3  }
0x94: {  	_ =	strace s3  }
0x95: {  	s3 =	sld [smem:$0x3FFD];
	_ =	sdelay $0x3  }
0x96: {  	_ =	strace s3  }
0x97: {  	_ =	strace $0x8FFFFFFF  }
0x98: {  	s19 =	sld [smem:$0x3FDB];
	_ =	sdelay $0x1  }
0x99: {  	s4 =	simm.s32 $_scs_section_size  }
0x9a: {  	s5 =	simm.s32 $_size__tile_overlayer_lowered;
	s6 =	simm.s32 $_tile_overlayer_lowered  }
0x9b: {  	s22 =	simm.s32 $0x1BFF;
	s21 =	sshll.u32 s6, $0x1;
	s3 =	sadd.s32 s4, s19  }
0x9c: {  	s7 =	simm.s32 $0x0;
	s20 =	sshll.u32 s5, $0x1;
	s5 =	sadd.s32 s21, s3  }
0x9d: {  	[timem:s7], [sflag:s22] =	dma.local [hbm:s5], s20  }
0x9e: {  	_ =	swait.ge [sflag:s22], s20  }
0x9f: {  	s4 =	ssub.s32 $0x0, s20;
	[sflag:s22] =	ssyncset.done $0x0  }
0xa0: {  	[sflag:s22] =	ssyncadd.s32 s4;
	_ =	sdelay $0x1  }
0xa1: {  	s23 =	simm.s32 $0x1B8B  }
0xa2: {  	_ =	swait.ge [sflag:s23], $0x1  }
0xa3: {  	[sflag:s23] =	ssyncset.done $0x0  }
0xa4: {  	s25 =	simm.s32 $0x1B8E;
	s24 =	sld [smem:$0x3FFE];
	[sflag:s23] =	ssyncadd.s32 $0xFFFFFFFF  }
0xa5: {  	s26 =	simm.s32 $execute0_lowered;
	[smem:$0x3FD2] =	sst s25  }
0xa6: {  	s5 =	sshll.u32 s26, $0x1;
	_ =	strace $0x80000046;
	[dreg:$0x1] =	wrdreg $0xFFFFFFFF  }
0xa7: {  	s28 =	simm.s32 $_size_execute0_lowered;
	s3 =	sadd.s32 s3, s5;
	[dreg:$0x0] =	wrdreg $0x0  }
0xa8: {  	s5 =	sshll.u32 s28, $0x1;
	[dreg:$0x2] =	wrdreg s3  }
0xa9: {  	[dreg:$0x3] =	wrdreg s5  }
0xaa: {  	[dreg:$0x4] =	wrdreg $0xC0  }
0xab: {  	_ =	task [dreg:s7], $0x5FFFF  }
0xac: {  	[dreg:$0x1] =	wrdreg $0xFFFFFFFF  }
0xad: {  	[dreg:$0x0] =	wrdreg $0x60  }
0xae: {  	[dreg:$0x2] =	wrdreg s24  }
0xaf: {  	[dreg:$0x3] =	wrdreg s2  }
0xb0: {  	[dreg:$0x4] =	wrdreg $0xC0000  }
0xb1: {  	[dreg:$0x5] =	wrdreg $0x9  }
0xb2: {  	_ =	task.clear_ibuf [dreg:s7], $0x6FFFF;
	_ =	strace $0x90000046  }
0xb3: {  	s29 =	simm.s32 $0x9;
	_ =	strace $0x80000048  }
0xb4: {  	_ =	swait.ge [sflag:s29], $0x1  }
0xb5: {  	[sflag:s29] =	ssyncadd.s32 $0xFFFFFFFF  }
0xb6: {  	_ =	strace $0x90000048  }
0xb7: {  	_ =	sfence  }
0xb8: {  	s30 =	sld [smem:$0x0];
	_ =	sdelay $0x2  }
0xb9: {  	s31 =	sshll.u32 s1, $0xD;
	s1 =	sshrl.u32 s1, $0x2  }
0xba: {  	s3 =	sand.u32 $0x4000, s31;
	s1 =	sadd.s32 s1, s30  }
0xbb: {  	s0 =	sor.u32 s3, s0;
	s1 =	sshll.u32 s1, $0x11  }
0xbc: {  	s0 =	sor.u32 s1, s0  }
0xbd: {  	s0 =	sadd.s32 $0x8F2B, s0  }
0xbe: {  	[sflag:s0] =	ssyncadd.remote.s32 $0x1  }
0xbf: {  	_ =	sfence.sel $0xFFFF  }
0xc0: {  	[dreg:$0x0] =	wrdreg $0xFFFFFFFF;
	(pc) =	sbr.abs _section_cstart, $3  }
0xc1: {  	[dreg:$0x1] =	wrdreg $0xFFFFFFFF  }
0xc2: {  	_ =	task.clear_ibuf [dreg:s7], $0x2FFFF;
	_ =	strace $0x9FFFFFFF  }
0xc3: {  	(tm) =	ssettm $0x7FFFFFFF  }
tec
execute0_lowered:
.L_overlay_start_1:
0x0: {  	(tag) =	ssettag $0x1  }
0x1: {  	s0 =	srdreg.scid;
	s1 =	rddreg [dreg:$0x0]  }
0x2: {  	s14 =	stileid.u32;
	s8 =	rddreg [dreg:$0x1]  }
0x3: {  	s3 =	simm.s32 $0x0;
	s17 =	simm.s32 $0x40;
	s18 =	simm.s32 $0x4000  }
0x4: {  	s19 =	simm.s32 $0x6000;
	s20 =	simm.s32 $0x1;
	s21 =	simm.s32 $0x8000  }
0x5: {  	s22 =	simm.s32 $0x2;
	s23 =	simm.s32 $0xA000;
	s24 =	simm.s32 $0x3  }
0x6: {  	s25 =	simm.s32 $0x4;
	s26 =	simm.s32 $0x0;
	s9 =	smul.u32 $0x13C00, s14  }
0x7: {  	s0 =	sand.u32 $0x1, s0;
	s2 =	sshll.u32 s14, $0x1;
	s28 =	smul.u32 $0x4F000, s14  }
0x8: {  	[smem:$0x7FF] =	sst s3;
	s4 =	sadd.s32 $0x20400, s1;
	s30 =	smul.u32 $0x1400, s14  }
0x9: {  	s10 =	sadd.s32 $0xC400, s1;
	s31 =	sshll.u32 s14, $0x6;
	s7 =	smul.u32 $0x13C000, s0  }
0xa: {  	s5 =	sor.u32 s0, s2;
	s11 =	ssub.s32 $0x2, s0;
	s0 =	smul.u32 $0xA00, s0  }
0xb: {  	s2 =	rddreg [dreg:$0x2];
	_ =	strace $0x80000047;
	s6 =	smul.u32 $0x500, s5  }
0xc: {  	s15 =	sor.u32 $0x1C06, s31;
	s12 =	sshrl.u32 s11, $0x1;
	s13 =	smul.u32 $0xA00, s5  }
0xd: {  	s7 =	sadd.s32 s9, s7;
	s11 =	ssub.s32 s11, s12;
	s12 =	sshrl.u32 s28, $0x2  }
0xe: {  	s9 =	sshrl.u32 s9, $0x3;
	s6 =	sadd.s32 s6, s1;
	s7 =	sshrl.u32 s7, $0x3  }
.Ltmp0:
0xf: {  	s16 =	sadd.s32 s12, s2;
	s8 =	sadd.s32 s8, s9;
	(pc) =	sbr.rel .LBB2_1-.Ltmp0, $4  }
0x10: {  	s12 =	simm.s32 $0x6;
	s1 =	sadd.s32 s7, s1;
	s29 =	sadd.s32 $0x2400, s6  }
0x11: {  	s6 =	sadd.s32 s10, s13;
	s10 =	sadd.s32 s30, s10;
	s16 =	sshrl.u32 s16, $0x3  }
0x12: {  	[dreg:$0x4] =	wrdreg s29;
	s7 =	sadd.s32 $0x100, s6;
	s0 =	sadd.s32 s0, s10  }
0x13: {  	s9 =	sadd.s32 $0x47600, s1;
	s10 =	smax.u32 s11, $0x1;
	s11 =	sadd.s32 $0x100, s0  }
.LBB2_4:
0x14: {  	_ =	swait.ge [sflag:s25], $0x2000  }
0x15: {  	[sflag:s25] =	ssyncset.done $0x0  }
0x16: {  	s0 =	sadd.s32 $0x2F80, s0;
	[sflag:s25] =	ssyncadd.s32 $0xFFFFE000  }
0x17: {  	[spmem:s2] =	stream.indirect.scatter.add.f32 [tilespmem:s23], [sflag:$0x4], $0x80, s0, s17, $0xb8;
	[tilespmem:$0x1FC00] =	vst v63  }
0x18: {  	_ =	swait.ge [sflag:s22], $0x2000  }
0x19: {  	[sflag:s22] =	ssyncset.done $0x0  }
0x1a: {  	[sflag:s22] =	ssyncadd.s32 $0xFFFFE000  }
0x1b: {  	_ =	swait.ge [sflag:s24], $0x2000  }
0x1c: {  	[sflag:s24] =	ssyncset.done $0x0  }
0x1d: {  	[sflag:s24] =	ssyncadd.s32 $0xFFFFE000  }
0x1e: {  	_ =	swait.ge [sflag:s25], $0x2000  }
0x1f: {  	s26 =	sadd.s32 $0x1, s26;
	[sflag:s25] =	ssyncset.done $0x0  }
0x20: {  	p0 =	sne.s32 s26, s10;
	[sflag:s25] =	ssyncadd.s32 $0xFFFFE000  }
.Ltmp1:
0x21: {  	[bflag:$0x0] =	sbarrier.arrive $0xFFFF;
	(pc) =	sbr.rel @!p0 .LBB2_5-.Ltmp1, $4  }
0x22: {  	[hbm:s9], [sflag:s15] =	dma.local [spmem:s16], $0x2780  }
0x23: {  	_ =	swait.ge [sflag:s12], $0x2780  }
0x24: {  	[sflag:s12] =	ssyncset.done $0x0  }
0x25: {  	[sflag:s12] =	ssyncadd.s32 $0xFFFFD880  }
.LBB2_1:
0x26: {  	s0 =	rddreg [dreg:$0x4]  }
0x27: {  	[tilespmem:s3], [sflag:$0x6] =	stream.linear.gather [hbm4b:s0+s3], $0x2800, $0x38;
	[tilespmem:$0x1FC00] =	vst v63  }
0x28: {  	_ =	swait.ge [sflag:s12], $0x2800  }
0x29: {  	[sflag:s12] =	ssyncset.done $0x0  }
0x2a: {  	s13 =	simm.s32 $0x2800;
	[sflag:s12] =	ssyncadd.s32 $0xFFFFD800  }
0x2b: {  	[tilespmem:s13], [sflag:$0x6] =	stream.linear.gather [hbm4b:s6+s3], $0x800, $0x38;
	[tilespmem:$0x1FC00] =	vst v63  }
0x2c: {  	_ =	swait.ge [sflag:s12], $0x800  }
0x2d: {  	[sflag:s12] =	ssyncset.done $0x0  }
0x2e: {  	s14 =	simm.s32 $0x3000;
	[sflag:s12] =	ssyncadd.s32 $0xFFFFF800  }
0x2f: {  	[tilespmem:s14], [sflag:$0x5] =	stream.linear.gather [hbm4b:s7+s3], $0x800, $0x38;
	[tilespmem:$0x1FC00] =	vst v63  }
0x30: {  	[spmem:s16], [sflag:s15] =	dma.local [hbm:s8], $0x2780  }
0x31: {  	_ =	swait.ge [sflag:s12], $0x2780  }
0x32: {  	[sflag:s12] =	ssyncset.done $0x0  }
0x33: {  	[sflag:s12] =	ssyncadd.s32 $0xFFFFD880  }
0x34: {  	s28 =	simm.s32 $0x600;
	[bflag:$0x0] =	sbarrier.arrive $0xFFFF  }
0x35: {  	[tilespmem:s18], [sflag:$0x1] =	stream.indirect.gather [hbm4b:s4+s17], $0x80, s3, s17, $0xb8;
	[tilespmem:$0x1FC00] =	vst v63  }
0x36: {  	s29 =	smov.u32 s11;
	s30 =	simm.s32 $0x0;
	s31 =	simm.s32 $0x0  }
0x37: {  	[tilespmem:s19], [sflag:$0x2] =	stream.indirect.gather [hbm4b:s4+s17], $0x80, s17, s17, $0xb8;
	[tilespmem:$0x1FC00] =	vst v63  }
.LBB2_2:
0x38: {  	s0 =	sand.u32 $0x3, s31;
	p0 =	seq.s32 s30, $0x0  }
0x39: {  	p1 =	sne.s32 @!p0 s0, $0x0  }
0x3a: {  	p2 =	por p1, p0  }
0x3b: {  	p3 =	sgt.u32 @!p2 s31, $0x23  }
0x3c: {  	p1 =	por @!p0 p3, p1  }
0x3d: {  	p1 =	por p1, p0  }
0x3e: {  	s0 =	sshrl.u32 @!p1 s31, $0x2  }
0x3f: {  	s0 =	sadd.s32 @!p1 $0x1, s0  }
0x40: {  	s1 =	sand.u32 @!p1 $0xFF, s0  }
0x41: {  	s1 =	smul.u32 @!p1 $0xAB, s1  }
0x42: {  	s13 =	sshrl.u32 s31, $0x2  }
0x43: {  	s5 =	smul.u32 $0xAB, s13;
	s1 =	sshrl.u32 @!p1 s1, $0x9  }
0x44: {  	s1 =	smul.u32 @!p1 $0x3, s1  }
0x45: {  	s14 =	simm.s32 @!p2 $0x5;
	s5 =	sshrl.u32 s5, $0x9  }
0x46: {  	_ =	swait.ge @!p2 [sflag:s14], $0x800;
	s0 =	ssub.s32 @!p1 s0, s1;
	s1 =	sand.u32 $0x7F, s5  }
0x47: {  	[sflag:s14] =	ssyncset.done @!p2 $0x0;
	s0 =	sand.u32 @!p1 $0xFF, s0;
	s1 =	smul.u32 $0x3, s1  }
0x48: {  	[sflag:s14] =	ssyncadd.s32 @!p2 $0xFFFFF800;
	s0 =	sshll.u32 @!p1 s0, $0xB  }
0x49: {  	s5 =	simm.s32 @!p1 $0x0;
	s0 =	sadd.s32 @!p1 $0x2800, s0;
	s1 =	ssub.s32 s13, s1  }
0x4a: {  	[tilespmem:s0], [sflag:$0x5] =	stream.linear.gather @!p1 [hbm4b:s29+s5], $0x800, $0x38;
	[tilespmem:$0x1FC00] =	vst v63  }
0x4b: {  	s0 =	sand.u32 $0xFF, s1;
	s5 =	sadd.s32 $0xFFFFFA00, s28  }
0x4c: {  	_ =	swait.ge [sflag:s20], $0x2000;
	s0 =	sshll.u32 s0, $0xB;
	s13 =	sand.u32 $0x1800, s5  }
0x4d: {  	[sflag:s20] =	ssyncset.done $0x0;
	s1 =	sadd.s32 $0x2800, s0;
	s5 =	sshrl.u32 s13, $0x2  }
0x4e: {  	s14 =	simm.s32 @!p0 $0x3;
	[sflag:s20] =	ssyncadd.s32 $0xFFFFE000;
	s5 =	sor.u32 s5, s1  }
0x4f: {  	[spmem:s2] =	stream.indirect.scatter.add.f32 [tilespmem:s18], [sflag:$0x1], $0x80, s5, s17, $0xb8;
	[tilespmem:$0x1FC00] =	vst v63  }
0x50: {  	_ =	swait.ge @!p0 [sflag:s14], $0x2000  }
0x51: {  	s13 =	sshra.s32 s30, $0x2;
	[sflag:s14] =	ssyncset.done @!p0 $0x0  }
0x52: {  	[sflag:s14] =	ssyncadd.s32 @!p0 $0xFFFFE000;
	s14 =	sadd.s32 $0x80, s13  }
0x53: {  	[tilespmem:s21], [sflag:$0x3] =	stream.indirect.gather [hbm4b:s4+s17], $0x80, s14, s17, $0xb8;
	[tilespmem:$0x1FC00] =	vst v63  }
0x54: {  	_ =	swait.ge [sflag:s22], $0x2000  }
0x55: {  	[sflag:s22] =	ssyncset.done $0x0  }
0x56: {  	s5 =	sadd.s32 $0x80, s5;
	[sflag:s22] =	ssyncadd.s32 $0xFFFFE000  }
0x57: {  	[spmem:s2] =	stream.indirect.scatter.add.f32 [tilespmem:s19], [sflag:$0x2], $0x80, s5, s17, $0xb8;
	[tilespmem:$0x1FC00] =	vst v63  }
0x58: {  	s5 =	simm.s32 @!p0 $0x4  }
0x59: {  	_ =	swait.ge @!p0 [sflag:s5], $0x2000  }
0x5a: {  	[sflag:s5] =	ssyncset.done @!p0 $0x0  }
0x5b: {  	s14 =	sadd.s32 $0xC0, s13;
	[sflag:s5] =	ssyncadd.s32 @!p0 $0xFFFFE000  }
0x5c: {  	[tilespmem:s23], [sflag:$0x4] =	stream.indirect.gather [hbm4b:s4+s17], $0x80, s14, s17, $0xb8;
	[tilespmem:$0x1FC00] =	vst v63  }
0x5d: {  	s14 =	sadd.s32 $0xFFFFFE00, s28  }
0x5e: {  	_ =	swait.ge [sflag:s24], $0x2000;
	s5 =	sand.u32 $0x1C00, s14  }
0x5f: {  	p0 =	seq.s32 s30, $0x9C00;
	[sflag:s24] =	ssyncset.done $0x0;
	s5 =	sshrl.u32 s5, $0x2  }
.Ltmp2:
0x60: {  	[sflag:s24] =	ssyncadd.s32 $0xFFFFE000;
	s5 =	sadd.s32 s5, s1;
	(pc) =	sbr.rel @p0 .LBB2_4-.Ltmp2, $4  }
0x61: {  	[spmem:s2] =	stream.indirect.scatter.add.f32 [tilespmem:s21], [sflag:$0x3], $0x80, s5, s17, $0xb8;
	[tilespmem:$0x1FC00] =	vst v63  }
0x62: {  	_ =	swait.ge [sflag:s20], $0x2000  }
0x63: {  	[sflag:s20] =	ssyncset.done $0x0  }
0x64: {  	[sflag:s20] =	ssyncadd.s32 $0xFFFFE000  }
0x65: {  	s0 =	sadd.s32 $0x100, s13  }
0x66: {  	[tilespmem:s18], [sflag:$0x1] =	stream.indirect.gather [hbm4b:s4+s17], $0x80, s0, s17, $0xb8;
	[tilespmem:$0x1FC00] =	vst v63  }
0x67: {  	s5 =	sand.u32 $0x1E00, s28;
	_ =	swait.ge [sflag:s25], $0x2000  }
0x68: {  	s0 =	sshrl.u32 s5, $0x2;
	[sflag:s25] =	ssyncset.done $0x0  }
0x69: {  	s0 =	sadd.s32 s0, s1;
	[sflag:s25] =	ssyncadd.s32 $0xFFFFE000  }
0x6a: {  	[spmem:s2] =	stream.indirect.scatter.add.f32 [tilespmem:s23], [sflag:$0x4], $0x80, s0, s17, $0xb8;
	[tilespmem:$0x1FC00] =	vst v63  }
.Ltmp3:
0x6b: {  	_ = 	snop;
	(pc) =	sbr.rel .LBB2_2-.Ltmp3, $4  }
0x6c: {  	s14 =	sadd.s32 $0x140, s13;
	_ =	swait.ge [sflag:s22], $0x2000  }
0x6d: {  	s31 =	sadd.s32 $0x1, s31;
	s30 =	sadd.s32 $0x400, s30;
	[sflag:s22] =	ssyncset.done $0x0  }
0x6e: {  	s28 =	sadd.s32 $0x800, s28;
	s29 =	sadd.s32 $0x40, s29;
	[sflag:s22] =	ssyncadd.s32 $0xFFFFE000  }
0x6f: {  	[tilespmem:s19], [sflag:$0x2] =	stream.indirect.gather [hbm4b:s4+s17], $0x80, s14, s17, $0xb8;
	[tilespmem:$0x1FC00] =	vst v63  }
.LBB2_5:
0x70: {  	_ =	sfence.sel $0x180000  }
0x71: {  	[bflag:$0x0] =	sbarrier.arrive $0xFFFF  }
0x72: {  	_ =	strace $0x90000047  }
0x73: {  	s0 =	stileid.u32;
	[bflag:$0x2] =	sbarrier.arrive $0xFFFF  }
0x74: {  	p0 =	sne.s32 s0, $0x0;
	s0 =	rddreg [dreg:$0x3]  }
0x75: {  	s0 =	sadd.s32 @!p0 $0x100000, s0  }
0x76: {  	[sflag:s0] =	ssyncadd.tile.s32 @!p0 $0x1;
	_ =	shalt  }
.Lfunc_end2:
_tile_overlayer_lowered:
.L_overlay_start_2:
0x77: {  	(tag) =	ssettag $0x2  }
0x78: {  	s0 =	rddreg [dreg:$0x0];
	s2 =	stileid.u32  }
0x79: {  	s1 =	rddreg [dreg:$0x1];
	p0 =	sne.s32 s2, $0x0  }
0x7a: {  	s3 =	rddreg [dreg:$0x2];
	[bflag:$0x3] =	sbarrier.arrive $0xFFFF;
	s2 =	simm.s32 @!p0 $0x1C06  }
0x7b: {  	[timem:s3], [sflag:s2] =	dma.local @!p0 [hbm:s0], s1  }
0x7c: {  	s0 =	simm.s32 @!p0 $0x6  }
0x7d: {  	_ =	swait.ge @!p0 [sflag:s0], s1  }
0x7e: {  	s1 =	ssub.s32 @!p0 $0x0, s1;
	[sflag:s0] =	ssyncset.done @!p0 $0x0  }
0x7f: {  	[sflag:s0] =	ssyncadd.s32 @!p0 s1  }
0x80: {  	[bflag:$0x3] =	sbarrier.arrive $0xFFFF  }
0x81: {  	_ =	shalt  }

</sc_bundles>
